<compile_context>
chip_gen: v7x
topology: tpu7x:2x2x1
jax: 0.10.2.dev20260603
libtpu: 0.0.44.dev20260713+nightly
codegen_flags: <defaults>
</compile_context>

<pallas_src>
import functools
import math

import jax
import jax.numpy as jnp
from jax import lax
from jax.experimental import pallas as pl
from jax.experimental.pallas import tpu as pltpu
from jax.experimental.pallas import tpu_sc as plsc

NUM_CORES = 2
NUM_SUBCORES = 16
NUM_WORKERS = NUM_CORES * NUM_SUBCORES
LANES = 16
PADDED_D = 128

SEQ_PAD = 56
NBUF = 4
PREFETCH = 2


@functools.cache
def _make_kernel(BATCH, SEQ, V, D):
    batches_per_w = BATCH // NUM_WORKERS
    n_per_w = batches_per_w * SEQ_PAD
    scale = jnp.float32(math.sqrt(D))

    mesh = plsc.VectorSubcoreMesh(
        core_axis_name="c",
        subcore_axis_name="s",
        num_cores=NUM_CORES,
        num_subcores=NUM_SUBCORES,
    )

    scratch = (
        [pltpu.VMEM((n_per_w,), jnp.int32)]
        + [pltpu.VMEM((SEQ, PADDED_D), jnp.float32) for _ in range(NBUF)]
        + [pltpu.SemaphoreType.DMA for _ in range(2 * NBUF)]
    )

    @functools.partial(
        pl.kernel,
        out_type=jax.ShapeDtypeStruct((BATCH, SEQ, PADDED_D), jnp.float32),
        mesh=mesh,
        scratch_types=scratch,
    )
    def ker(idx_hbm, table_hbm, out_hbm, idx_v, *rest):
        bufs = rest[:NBUF]
        gsems = rest[NBUF : 2 * NBUF]
        ssems = rest[2 * NBUF :]

        wid = lax.axis_index("s") * NUM_CORES + lax.axis_index("c")
        base = wid * n_per_w
        b0 = wid * batches_per_w
        pltpu.sync_copy(idx_hbm.at[pl.ds(base, n_per_w)], idx_v)

        def start_gather(g, b):
            idx_slice = idx_v.at[pl.ds(g * SEQ_PAD, SEQ)]
            pltpu.make_async_copy(table_hbm.at[idx_slice], bufs[b], gsems[b]).start()

        def wait_gather(b):
            pltpu.make_async_copy(
                table_hbm.at[idx_v.at[pl.ds(0, SEQ)]], bufs[b], gsems[b]
            ).wait()

        def start_scatter(g, b):
            pltpu.make_async_copy(bufs[b], out_hbm.at[b0 + g], ssems[b]).start()

        def wait_scatter(b):
            pltpu.make_async_copy(bufs[b], out_hbm.at[b0], ssems[b]).wait()

        for g in range(PREFETCH):
            start_gather(g, g % NBUF)

        @pl.loop(0, batches_per_w, step=NBUF)
        def outer(g0):
            for db in range(NBUF):
                g = g0 + db
                b = db
                bn = (db + PREFETCH) % NBUF

                @pl.when(g + PREFETCH - NBUF >= 0)
                def _():
                    wait_scatter(bn)

                @pl.when(g + PREFETCH < batches_per_w)
                def _():
                    start_gather(g + PREFETCH, bn)

                wait_gather(b)

                def row_body(i, carry):
                    for j in range(D // LANES):
                        bufs[b][i, pl.ds(j * LANES, LANES)] = (
                            bufs[b][i, pl.ds(j * LANES, LANES)] * scale
                        )
                    return carry

                lax.fori_loop(0, SEQ, row_body, 0, unroll=5)
                start_scatter(g, b)

        for g in range(max(0, batches_per_w - (NBUF - PREFETCH)), batches_per_w):
            wait_scatter(g % NBUF)

    return ker


def kernel(sen, table):
    B, L = sen.shape
    V, D = table.shape
    idx = jnp.pad(sen, ((0, 0), (0, SEQ_PAD - L))).reshape(-1)
    t128 = jnp.pad(table, ((0, 0), (0, PADDED_D - D)))
    out = _make_kernel(B, L, V, D)(idx, t128)
    return out[:, :, :D]

# --- scband reference (transcript-rebuilt; emitter-appended) ---
"""Pipeline reference for scband-embeddings-22024592294275 (READ-ONLY COPY).

The authoritative reference and input builder live on the scoring server;
editing this copy changes nothing except your own understanding.
"""

import jax, jax.numpy as jnp
import numpy as np
import math

VOCAB = 1000000
D_MODEL = 64
BATCH = 4096
SEQ = 50
PAD_IDX = 0


def setup_inputs(seed: int = 0) -> dict:
    key = jax.random.key(seed)
    k1, k2 = jax.random.split(key)
    sen = jax.random.randint(k1, (BATCH, SEQ), 0, VOCAB, dtype=jnp.int32)
    table = jax.random.normal(k2, (VOCAB, D_MODEL), dtype=jnp.float32) * 0.02
    # padding_idx row is zeroed, matching nn.Embedding(padding_idx=pad_idx)
    table = table.at[PAD_IDX].set(0.0)
    return {"sen": sen, "table": table}


def reference(sen, table):
    # sen: int[B, L]; module transposes to [L, B], looks up, transposes back
    s = sen.T  # [L, B]
    out = jnp.take(table, s, axis=0)  # [L, B, D]
    out = jnp.transpose(out, (1, 0, 2))  # [B, L, D]
    return out * math.sqrt(table.shape[1])

if __name__ == "__main__":
    import jax
    _d = setup_inputs()
    print(jax.jit(kernel)(*tuple(_d.values())))

</pallas_src>

<mosaic_0001>
#map = affine_map<(d0, d1) -> (0)>
#map1 = affine_map<(d0, d1) -> (0, 0)>
#map2 = affine_map<(d0, d1) -> (0, 0, 0)>
module attributes {stable_mosaic.version = 14 : i64} {
  func.func @_rewritten_body(%arg0: i32, %arg1: i32, %arg2: memref<229376xi32, #tpu.memory_space<hbm>>, %arg3: memref<1000000x128xf32, #tpu.memory_space<hbm>>, %arg4: memref<1xf32, #tpu.memory_space<hbm>>, %arg5: memref<4096x50x128xf32, #tpu.memory_space<hbm>>, %arg6: memref<7168xi32, #tpu.memory_space<vmem>>, %arg7: memref<50x128xf32, #tpu.memory_space<vmem>>, %arg8: memref<50x128xf32, #tpu.memory_space<vmem>>, %arg9: memref<50x128xf32, #tpu.memory_space<vmem>>, %arg10: memref<50x128xf32, #tpu.memory_space<vmem>>, %arg11: memref<!tpu.dma_semaphore, #tpu.memory_space<semaphore_mem>>, %arg12: memref<!tpu.dma_semaphore, #tpu.memory_space<semaphore_mem>>, %arg13: memref<!tpu.dma_semaphore, #tpu.memory_space<semaphore_mem>>, %arg14: memref<!tpu.dma_semaphore, #tpu.memory_space<semaphore_mem>>, %arg15: memref<!tpu.dma_semaphore, #tpu.memory_space<semaphore_mem>>, %arg16: memref<!tpu.dma_semaphore, #tpu.memory_space<semaphore_mem>>, %arg17: memref<!tpu.dma_semaphore, #tpu.memory_space<semaphore_mem>>, %arg18: memref<!tpu.dma_semaphore, #tpu.memory_space<semaphore_mem>>) attributes {dimension_semantics = [#tpu.dimension_semantics<core_parallel>, #tpu.dimension_semantics<subcore_parallel>], iteration_bounds = array<i64: 2, 16>, scalar_prefetch = 0 : i64, scratch_operands = 13 : i64, tpu.core_type = #tpu.core_type<sc_vector_subcore>, window_params = [{transform_indices = #map}, {transform_indices = #map1}, {transform_indices = #map}, {transform_indices = #map2}]} {
    %empty_ref3A = memref.alloca() : memref<16xf32, #tpu.memory_space<vmem>>
    "tpu.region"() ({
      %run_scoped3A = tpu.sem_alloc : memref<!tpu.dma_semaphore, #tpu.memory_space<semaphore_mem>>
      %dma_start3A_35 = arith.constant 0 : i32
      %dma_start3A_36 = tpu.memref_slice %empty_ref3A[%dma_start3A_35] : memref<16xf32, #tpu.memory_space<vmem>> -> memref<1xf32, #tpu.memory_space<vmem>>
      %dma_start3A_37 = arith.constant 0 : i32
      %dma_start3A_38 = tpu.memref_slice %empty_ref3A[%dma_start3A_37] : memref<16xf32, #tpu.memory_space<vmem>> -> memref<1xf32, #tpu.memory_space<vmem>>
      tpu.enqueue_dma source(%arg4 : memref<1xf32, #tpu.memory_space<hbm>>) target(%dma_start3A_38 : memref<1xf32, #tpu.memory_space<vmem>>) target_semaphore(%run_scoped3A : memref<!tpu.dma_semaphore, #tpu.memory_space<semaphore_mem>>)
      %dma_wait3A_39 = arith.constant 0 : i32
      %dma_wait3A_40 = tpu.memref_slice %empty_ref3A[%dma_wait3A_39] : memref<16xf32, #tpu.memory_space<vmem>> -> memref<1xf32, #tpu.memory_space<vmem>>
      %dma_wait3A_41 = arith.constant 0 : i32
      %dma_wait3A_42 = tpu.memref_slice %empty_ref3A[%dma_wait3A_41] : memref<16xf32, #tpu.memory_space<vmem>> -> memref<1xf32, #tpu.memory_space<vmem>>
      tpu.wait_dma2 semaphore(%run_scoped3A : memref<!tpu.dma_semaphore, #tpu.memory_space<semaphore_mem>>) src(%arg4 : memref<1xf32, #tpu.memory_space<hbm>>) dst(%dma_wait3A_42 : memref<1xf32, #tpu.memory_space<vmem>>)
      tpu.yield
    }) : () -> ()
    %get3A = arith.constant 0 : index
    %get3A_0 = tpu.vector_load %empty_ref3A[%get3A] {strides = array<i32>} : memref<16xf32, #tpu.memory_space<vmem>>, vector<16xf32>,
    %get3A_1 = vector.shape_cast %get3A_0 : vector<16xf32> to vector<16xf32>
    %slice3A = vector.extract_strided_slice %get3A_1 {offsets = [0], sizes = [1], strides = [1]} : vector<16xf32> to vector<1xf32>
    %squeeze3A = vector.extract %slice3A[0] : f32 from vector<1xf32>
    %mul3A = arith.constant 2 : i32
    %mul3A_2 = arith.muli %arg1, %mul3A : i32
    %add3A = arith.addi %mul3A_2, %arg0 : i32
    %mul3A_3 = arith.constant 7168 : i32
    %mul3A_4 = arith.muli %add3A, %mul3A_3 : i32
    %mul3A_5 = arith.constant 128 : i32
    %mul3A_6 = arith.muli %add3A, %mul3A_5 : i32
    "tpu.region"() ({
      %run_scoped3A = tpu.sem_alloc : memref<!tpu.dma_semaphore, #tpu.memory_space<semaphore_mem>>
      %dma_start3A_35 = tpu.memref_slice %arg2[%mul3A_4] : memref<229376xi32, #tpu.memory_space<hbm>> -> memref<7168xi32, #tpu.memory_space<hbm>>
      %dma_start3A_36 = tpu.memref_slice %arg2[%mul3A_4] : memref<229376xi32, #tpu.memory_space<hbm>> -> memref<7168xi32, #tpu.memory_space<hbm>>
      tpu.enqueue_dma source(%dma_start3A_36 : memref<7168xi32, #tpu.memory_space<hbm>>) target(%arg6 : memref<7168xi32, #tpu.memory_space<vmem>>) target_semaphore(%run_scoped3A : memref<!tpu.dma_semaphore, #tpu.memory_space<semaphore_mem>>)
      %dma_wait3A_37 = tpu.memref_slice %arg2[%mul3A_4] : memref<229376xi32, #tpu.memory_space<hbm>> -> memref<7168xi32, #tpu.memory_space<hbm>>
      %dma_wait3A_38 = tpu.memref_slice %arg2[%mul3A_4] : memref<229376xi32, #tpu.memory_space<hbm>> -> memref<7168xi32, #tpu.memory_space<hbm>>
      tpu.wait_dma2 semaphore(%run_scoped3A : memref<!tpu.dma_semaphore, #tpu.memory_space<semaphore_mem>>) src(%dma_wait3A_38 : memref<7168xi32, #tpu.memory_space<hbm>>) dst(%arg6 : memref<7168xi32, #tpu.memory_space<vmem>>)
      tpu.yield
    }) : () -> ()
    %dma_start3A = arith.constant 0 : i32
    %dma_start3A_7 = tpu.memref_slice %arg6[%dma_start3A] : memref<7168xi32, #tpu.memory_space<vmem>> -> memref<50xi32, #tpu.memory_space<vmem>>
    %dma_start3A_8 = arith.constant 0 : i32
    %dma_start3A_9 = arith.constant 0 : i32
    %dma_start3A_10 = tpu.memref_slice %arg3[%dma_start3A_8, %dma_start3A_9] : memref<1000000x128xf32, #tpu.memory_space<hbm>> -> memref<1000000x128xf32, #tpu.memory_space<hbm>>
    tpu.enqueue_indirect_dma source(%dma_start3A_10 : memref<1000000x128xf32, #tpu.memory_space<hbm>>) target(%arg7 : memref<50x128xf32, #tpu.memory_space<vmem>>) offsets(%dma_start3A_7 : memref<50xi32, #tpu.memory_space<vmem>>) semaphore(%arg11 : memref<!tpu.dma_semaphore, #tpu.memory_space<semaphore_mem>>)
    %dma_start3A_11 = arith.constant 56 : i32
    %dma_start3A_12 = tpu.memref_slice %arg6[%dma_start3A_11] : memref<7168xi32, #tpu.memory_space<vmem>> -> memref<50xi32, #tpu.memory_space<vmem>>
    %dma_start3A_13 = arith.constant 0 : i32
    %dma_start3A_14 = arith.constant 0 : i32
    %dma_start3A_15 = tpu.memref_slice %arg3[%dma_start3A_13, %dma_start3A_14] : memref<1000000x128xf32, #tpu.memory_space<hbm>> -> memref<1000000x128xf32, #tpu.memory_space<hbm>>
    tpu.enqueue_indirect_dma source(%dma_start3A_15 : memref<1000000x128xf32, #tpu.memory_space<hbm>>) target(%arg8 : memref<50x128xf32, #tpu.memory_space<vmem>>) offsets(%dma_start3A_12 : memref<50xi32, #tpu.memory_space<vmem>>) semaphore(%arg12 : memref<!tpu.dma_semaphore, #tpu.memory_space<semaphore_mem>>)
    %scan3A = arith.constant 0 : i32
    %scan3A_16 = arith.constant 32 : i32
    %scan3A_17 = arith.addi %scan3A, %scan3A_16 : i32
    %scan3A_18 = arith.constant 1 : i32
    scf.for %scan3A_35 = %scan3A to %scan3A_17 step %scan3A_18  : i32 {
      %mul3A_36 = arith.constant 4 : i32
      %mul3A_37 = arith.muli %scan3A_35, %mul3A_36 : i32
      %add3A_38 = arith.constant 0 : i32
      %add3A_39 = arith.addi %add3A_38, %mul3A_37 : i32
      %add3A_40 = arith.constant 0 : i32
      %add3A_41 = arith.addi %add3A_39, %add3A_40 : i32
      %add3A_42 = arith.constant 2 : i32
      %add3A_43 = arith.addi %add3A_41, %add3A_42 : i32
      %sub3A = arith.constant 4 : i32
      %sub3A_44 = arith.subi %add3A_43, %sub3A : i32
      %ge3A = arith.constant 0 : i32
      %ge3A_45 = arith.cmpi sge, %sub3A_44, %ge3A : i32
      %convert_element_type3A = arith.extui %ge3A_45 : i1 to i32
      %cond3A = arith.constant 0 : i32
      %cond3A_46 = arith.cmpi ne, %convert_element_type3A, %cond3A : i32
      scf.if %cond3A_46 {
        %dma_wait3A_187 = arith.constant 0 : i32
        %dma_wait3A_188 = arith.constant 0 : i32
        %dma_wait3A_189 = tpu.memref_slice %arg5[%mul3A_6, %dma_wait3A_187, %dma_wait3A_188] : memref<4096x50x128xf32, #tpu.memory_space<hbm>> -> memref<1x50x128xf32, #tpu.memory_space<hbm>>
        %dma_wait3A_190 = tpu.memref_squeeze %dma_wait3A_189 : memref<1x50x128xf32, #tpu.memory_space<hbm>> -> memref<50x128xf32, #tpu.memory_space<hbm>>
        %dma_wait3A_191 = arith.constant 0 : i32
        %dma_wait3A_192 = arith.constant 0 : i32
        %dma_wait3A_193 = tpu.memref_slice %arg5[%mul3A_6, %dma_wait3A_191, %dma_wait3A_192] : memref<4096x50x128xf32, #tpu.memory_space<hbm>> -> memref<1x50x128xf32, #tpu.memory_space<hbm>>
        %dma_wait3A_194 = tpu.memref_squeeze %dma_wait3A_193 : memref<1x50x128xf32, #tpu.memory_space<hbm>> -> memref<50x128xf32, #tpu.memory_space<hbm>>
        tpu.wait_dma2 semaphore(%arg17 : memref<!tpu.dma_semaphore, #tpu.memory_space<semaphore_mem>>) src(%arg9 : memref<50x128xf32, #tpu.memory_space<vmem>>) dst(%dma_wait3A_194 : memref<50x128xf32, #tpu.memory_space<hbm>>)
      } else {
      }
      %add3A_47 = arith.constant 2 : i32
      %add3A_48 = arith.addi %add3A_41, %add3A_47 : i32
      %lt3A = arith.constant 128 : i32
      %lt3A_49 = arith.cmpi slt, %add3A_48, %lt3A : i32
      %convert_element_type3A_50 = arith.extui %lt3A_49 : i1 to i32
      %cond3A_51 = arith.constant 0 : i32
      %cond3A_52 = arith.cmpi ne, %convert_element_type3A_50, %cond3A_51 : i32
      scf.if %cond3A_52 {
        %add3A_187 = arith.constant 2 : i32
        %add3A_188 = arith.addi %add3A_41, %add3A_187 : i32
        %mul3A_189 = arith.constant 56 : i32
        %mul3A_190 = arith.muli %add3A_188, %mul3A_189 : i32
        %dma_start3A_191 = tpu.memref_slice %arg6[%mul3A_190] : memref<7168xi32, #tpu.memory_space<vmem>> -> memref<50xi32, #tpu.memory_space<vmem>>
        %dma_start3A_192 = arith.constant 0 : i32
        %dma_start3A_193 = arith.constant 0 : i32
        %dma_start3A_194 = tpu.memref_slice %arg3[%dma_start3A_192, %dma_start3A_193] : memref<1000000x128xf32, #tpu.memory_space<hbm>> -> memref<1000000x128xf32, #tpu.memory_space<hbm>>
        tpu.enqueue_indirect_dma source(%dma_start3A_194 : memref<1000000x128xf32, #tpu.memory_space<hbm>>) target(%arg9 : memref<50x128xf32, #tpu.memory_space<vmem>>) offsets(%dma_start3A_191 : memref<50xi32, #tpu.memory_space<vmem>>) semaphore(%arg13 : memref<!tpu.dma_semaphore, #tpu.memory_space<semaphore_mem>>)
      } else {
      }
      %dma_wait3A_53 = arith.constant 0 : i32
      %dma_wait3A_54 = tpu.memref_slice %arg6[%dma_wait3A_53] : memref<7168xi32, #tpu.memory_space<vmem>> -> memref<50xi32, #tpu.memory_space<vmem>>
      %dma_wait3A_55 = arith.constant 0 : i32
      %dma_wait3A_56 = arith.constant 0 : i32
      %dma_wait3A_57 = tpu.memref_slice %arg3[%dma_wait3A_55, %dma_wait3A_56] : memref<1000000x128xf32, #tpu.memory_space<hbm>> -> memref<1000000x128xf32, #tpu.memory_space<hbm>>
      tpu.wait_indirect_dma semaphore(%arg11 : memref<!tpu.dma_semaphore, #tpu.memory_space<semaphore_mem>>) src(%dma_wait3A_57 : memref<1000000x128xf32, #tpu.memory_space<hbm>>) dst(%arg7 : memref<50x128xf32, #tpu.memory_space<vmem>>)
      %scan3A_58 = arith.constant 0 : i32
      %scan3A_59 = arith.constant 0 : i32
      %scan3A_60 = arith.constant 50 : i32
      %scan3A_61 = arith.addi %scan3A_59, %scan3A_60 : i32
      %scan3A_62 = arith.constant 5 : i32
      scf.for %scan3A_187 = %scan3A_59 to %scan3A_61 step %scan3A_62  : i32 {
        %get3A_188 = arith.index_cast %scan3A_187 : i32 to index
        %get3A_189 = arith.constant 0 : index
        %get3A_190 = tpu.vector_load %arg7[%get3A_188, %get3A_189] {strides = array<i32>} : memref<50x128xf32, #tpu.memory_space<vmem>>, vector<1x16xf32>,
        %get3A_191 = vector.shape_cast %get3A_190 : vector<1x16xf32> to vector<16xf32>
        %mul3A_192 = vector.broadcast %squeeze3A : f32 to vector<16xf32>
        %mul3A_193 = arith.mulf %get3A_191, %mul3A_192 : vector<16xf32>
        %swap3A = arith.index_cast %scan3A_187 : i32 to index
        %swap3A_194 = arith.constant 0 : index
        %swap3A_195 = tpu.vector_load %arg7[%swap3A, %swap3A_194] {strides = array<i32>} : memref<50x128xf32, #tpu.memory_space<vmem>>, vector<1x16xf32>,
        %swap3A_196 = vector.shape_cast %swap3A_195 : vector<1x16xf32> to vector<16xf32>
        %swap3A_197 = vector.shape_cast %mul3A_193 : vector<16xf32> to vector<1x16xf32>
        tpu.vector_store %arg7[%swap3A, %swap3A_194], %swap3A_197 {strides = array<i32>} : memref<50x128xf32, #tpu.memory_space<vmem>>, vector<1x16xf32>,
        %get3A_198 = arith.index_cast %scan3A_187 : i32 to index
        %get3A_199 = arith.constant 16 : index
        %get3A_200 = tpu.vector_load %arg7[%get3A_198, %get3A_199] {strides = array<i32>} : memref<50x128xf32, #tpu.memory_space<vmem>>, vector<1x16xf32>,
        %get3A_201 = vector.shape_cast %get3A_200 : vector<1x16xf32> to vector<16xf32>
        %mul3A_202 = vector.broadcast %squeeze3A : f32 to vector<16xf32>
        %mul3A_203 = arith.mulf %get3A_201, %mul3A_202 : vector<16xf32>
        %swap3A_204 = arith.index_cast %scan3A_187 : i32 to index
        %swap3A_205 = arith.constant 16 : index
        %swap3A_206 = tpu.vector_load %arg7[%swap3A_204, %swap3A_205] {strides = array<i32>} : memref<50x128xf32, #tpu.memory_space<vmem>>, vector<1x16xf32>,
        %swap3A_207 = vector.shape_cast %swap3A_206 : vector<1x16xf32> to vector<16xf32>
        %swap3A_208 = vector.shape_cast %mul3A_203 : vector<16xf32> to vector<1x16xf32>
        tpu.vector_store %arg7[%swap3A_204, %swap3A_205], %swap3A_208 {strides = array<i32>} : memref<50x128xf32, #tpu.memory_space<vmem>>, vector<1x16xf32>,
        %get3A_209 = arith.index_cast %scan3A_187 : i32 to index
        %get3A_210 = arith.constant 32 : index
        %get3A_211 = tpu.vector_load %arg7[%get3A_209, %get3A_210] {strides = array<i32>} : memref<50x128xf32, #tpu.memory_space<vmem>>, vector<1x16xf32>,
        %get3A_212 = vector.shape_cast %get3A_211 : vector<1x16xf32> to vector<16xf32>
        %mul3A_213 = vector.broadcast %squeeze3A : f32 to vector<16xf32>
        %mul3A_214 = arith.mulf %get3A_212, %mul3A_213 : vector<16xf32>
        %swap3A_215 = arith.index_cast %scan3A_187 : i32 to index
        %swap3A_216 = arith.constant 32 : index
        %swap3A_217 = tpu.vector_load %arg7[%swap3A_215, %swap3A_216] {strides = array<i32>} : memref<50x128xf32, #tpu.memory_space<vmem>>, vector<1x16xf32>,
        %swap3A_218 = vector.shape_cast %swap3A_217 : vector<1x16xf32> to vector<16xf32>
        %swap3A_219 = vector.shape_cast %mul3A_214 : vector<16xf32> to vector<1x16xf32>
        tpu.vector_store %arg7[%swap3A_215, %swap3A_216], %swap3A_219 {strides = array<i32>} : memref<50x128xf32, #tpu.memory_space<vmem>>, vector<1x16xf32>,
        %get3A_220 = arith.index_cast %scan3A_187 : i32 to index
        %get3A_221 = arith.constant 48 : index
        %get3A_222 = tpu.vector_load %arg7[%get3A_220, %get3A_221] {strides = array<i32>} : memref<50x128xf32, #tpu.memory_space<vmem>>, vector<1x16xf32>,
        %get3A_223 = vector.shape_cast %get3A_222 : vector<1x16xf32> to vector<16xf32>
        %mul3A_224 = vector.broadcast %squeeze3A : f32 to vector<16xf32>
        %mul3A_225 = arith.mulf %get3A_223, %mul3A_224 : vector<16xf32>
        %swap3A_226 = arith.index_cast %scan3A_187 : i32 to index
        %swap3A_227 = arith.constant 48 : index
        %swap3A_228 = tpu.vector_load %arg7[%swap3A_226, %swap3A_227] {strides = array<i32>} : memref<50x128xf32, #tpu.memory_space<vmem>>, vector<1x16xf32>,
        %swap3A_229 = vector.shape_cast %swap3A_228 : vector<1x16xf32> to vector<16xf32>
        %swap3A_230 = vector.shape_cast %mul3A_225 : vector<16xf32> to vector<1x16xf32>
        tpu.vector_store %arg7[%swap3A_226, %swap3A_227], %swap3A_230 {strides = array<i32>} : memref<50x128xf32, #tpu.memory_space<vmem>>, vector<1x16xf32>,
        %scan3A_231 = arith.constant 1 : i32
        %scan3A_232 = arith.addi %scan3A_187, %scan3A_231 : i32
        %get3A_233 = arith.index_cast %scan3A_232 : i32 to index
        %get3A_234 = arith.constant 0 : index
        %get3A_235 = tpu.vector_load %arg7[%get3A_233, %get3A_234] {strides = array<i32>} : memref<50x128xf32, #tpu.memory_space<vmem>>, vector<1x16xf32>,
        %get3A_236 = vector.shape_cast %get3A_235 : vector<1x16xf32> to vector<16xf32>
        %mul3A_237 = vector.broadcast %squeeze3A : f32 to vector<16xf32>
        %mul3A_238 = arith.mulf %get3A_236, %mul3A_237 : vector<16xf32>
        %swap3A_239 = arith.index_cast %scan3A_232 : i32 to index
        %swap3A_240 = arith.constant 0 : index
        %swap3A_241 = tpu.vector_load %arg7[%swap3A_239, %swap3A_240] {strides = array<i32>} : memref<50x128xf32, #tpu.memory_space<vmem>>, vector<1x16xf32>,
        %swap3A_242 = vector.shape_cast %swap3A_241 : vector<1x16xf32> to vector<16xf32>
        %swap3A_243 = vector.shape_cast %mul3A_238 : vector<16xf32> to vector<1x16xf32>
        tpu.vector_store %arg7[%swap3A_239, %swap3A_240], %swap3A_243 {strides = array<i32>} : memref<50x128xf32, #tpu.memory_space<vmem>>, vector<1x16xf32>,
        %get3A_244 = arith.index_cast %scan3A_232 : i32 to index
        %get3A_245 = arith.constant 16 : index
        %get3A_246 = tpu.vector_load %arg7[%get3A_244, %get3A_245] {strides = array<i32>} : memref<50x128xf32, #tpu.memory_space<vmem>>, vector<1x16xf32>,
        %get3A_247 = vector.shape_cast %get3A_246 : vector<1x16xf32> to vector<16xf32>
        %mul3A_248 = vector.broadcast %squeeze3A : f32 to vector<16xf32>
        %mul3A_249 = arith.mulf %get3A_247, %mul3A_248 : vector<16xf32>
        %swap3A_250 = arith.index_cast %scan3A_232 : i32 to index
        %swap3A_251 = arith.constant 16 : index
        %swap3A_252 = tpu.vector_load %arg7[%swap3A_250, %swap3A_251] {strides = array<i32>} : memref<50x128xf32, #tpu.memory_space<vmem>>, vector<1x16xf32>,
        %swap3A_253 = vector.shape_cast %swap3A_252 : vector<1x16xf32> to vector<16xf32>
        %swap3A_254 = vector.shape_cast %mul3A_249 : vector<16xf32> to vector<1x16xf32>
        tpu.vector_store %arg7[%swap3A_250, %swap3A_251], %swap3A_254 {strides = array<i32>} : memref<50x128xf32, #tpu.memory_space<vmem>>, vector<1x16xf32>,
        %get3A_255 = arith.index_cast %scan3A_232 : i32 to index
        %get3A_256 = arith.constant 32 : index
        %get3A_257 = tpu.vector_load %arg7[%get3A_255, %get3A_256] {strides = array<i32>} : memref<50x128xf32, #tpu.memory_space<vmem>>, vector<1x16xf32>,
        %get3A_258 = vector.shape_cast %get3A_257 : vector<1x16xf32> to vector<16xf32>
        %mul3A_259 = vector.broadcast %squeeze3A : f32 to vector<16xf32>
        %mul3A_260 = arith.mulf %get3A_258, %mul3A_259 : vector<16xf32>
        %swap3A_261 = arith.index_cast %scan3A_232 : i32 to index
        %swap3A_262 = arith.constant 32 : index
        %swap3A_263 = tpu.vector_load %arg7[%swap3A_261, %swap3A_262] {strides = array<i32>} : memref<50x128xf32, #tpu.memory_space<vmem>>, vector<1x16xf32>,
        %swap3A_264 = vector.shape_cast %swap3A_263 : vector<1x16xf32> to vector<16xf32>
        %swap3A_265 = vector.shape_cast %mul3A_260 : vector<16xf32> to vector<1x16xf32>
        tpu.vector_store %arg7[%swap3A_261, %swap3A_262], %swap3A_265 {strides = array<i32>} : memref<50x128xf32, #tpu.memory_space<vmem>>, vector<1x16xf32>,
        %get3A_266 = arith.index_cast %scan3A_232 : i32 to index
        %get3A_267 = arith.constant 48 : index
        %get3A_268 = tpu.vector_load %arg7[%get3A_266, %get3A_267] {strides = array<i32>} : memref<50x128xf32, #tpu.memory_space<vmem>>, vector<1x16xf32>,
        %get3A_269 = vector.shape_cast %get3A_268 : vector<1x16xf32> to vector<16xf32>
        %mul3A_270 = vector.broadcast %squeeze3A : f32 to vector<16xf32>
        %mul3A_271 = arith.mulf %get3A_269, %mul3A_270 : vector<16xf32>
        %swap3A_272 = arith.index_cast %scan3A_232 : i32 to index
        %swap3A_273 = arith.constant 48 : index
        %swap3A_274 = tpu.vector_load %arg7[%swap3A_272, %swap3A_273] {strides = array<i32>} : memref<50x128xf32, #tpu.memory_space<vmem>>, vector<1x16xf32>,
        %swap3A_275 = vector.shape_cast %swap3A_274 : vector<1x16xf32> to vector<16xf32>
        %swap3A_276 = vector.shape_cast %mul3A_271 : vector<16xf32> to vector<1x16xf32>
        tpu.vector_store %arg7[%swap3A_272, %swap3A_273], %swap3A_276 {strides = array<i32>} : memref<50x128xf32, #tpu.memory_space<vmem>>, vector<1x16xf32>,
        %scan3A_277 = arith.constant 2 : i32
        %scan3A_278 = arith.addi %scan3A_187, %scan3A_277 : i32
        %get3A_279 = arith.index_cast %scan3A_278 : i32 to index
        %get3A_280 = arith.constant 0 : index
        %get3A_281 = tpu.vector_load %arg7[%get3A_279, %get3A_280] {strides = array<i32>} : memref<50x128xf32, #tpu.memory_space<vmem>>, vector<1x16xf32>,
        %get3A_282 = vector.shape_cast %get3A_281 : vector<1x16xf32> to vector<16xf32>
        %mul3A_283 = vector.broadcast %squeeze3A : f32 to vector<16xf32>
        %mul3A_284 = arith.mulf %get3A_282, %mul3A_283 : vector<16xf32>
        %swap3A_285 = arith.index_cast %scan3A_278 : i32 to index
        %swap3A_286 = arith.constant 0 : index
        %swap3A_287 = tpu.vector_load %arg7[%swap3A_285, %swap3A_286] {strides = array<i32>} : memref<50x128xf32, #tpu.memory_space<vmem>>, vector<1x16xf32>,
        %swap3A_288 = vector.shape_cast %swap3A_287 : vector<1x16xf32> to vector<16xf32>
        %swap3A_289 = vector.shape_cast %mul3A_284 : vector<16xf32> to vector<1x16xf32>
        tpu.vector_store %arg7[%swap3A_285, %swap3A_286], %swap3A_289 {strides = array<i32>} : memref<50x128xf32, #tpu.memory_space<vmem>>, vector<1x16xf32>,
        %get3A_290 = arith.index_cast %scan3A_278 : i32 to index
        %get3A_291 = arith.constant 16 : index
        %get3A_292 = tpu.vector_load %arg7[%get3A_290, %get3A_291] {strides = array<i32>} : memref<50x128xf32, #tpu.memory_space<vmem>>, vector<1x16xf32>,
        %get3A_293 = vector.shape_cast %get3A_292 : vector<1x16xf32> to vector<16xf32>
        %mul3A_294 = vector.broadcast %squeeze3A : f32 to vector<16xf32>
        %mul3A_295 = arith.mulf %get3A_293, %mul3A_294 : vector<16xf32>
        %swap3A_296 = arith.index_cast %scan3A_278 : i32 to index
        %swap3A_297 = arith.constant 16 : index
        %swap3A_298 = tpu.vector_load %arg7[%swap3A_296, %swap3A_297] {strides = array<i32>} : memref<50x128xf32, #tpu.memory_space<vmem>>, vector<1x16xf32>,
        %swap3A_299 = vector.shape_cast %swap3A_298 : vector<1x16xf32> to vector<16xf32>
        %swap3A_300 = vector.shape_cast %mul3A_295 : vector<16xf32> to vector<1x16xf32>
        tpu.vector_store %arg7[%swap3A_296, %swap3A_297], %swap3A_300 {strides = array<i32>} : memref<50x128xf32, #tpu.memory_space<vmem>>, vector<1x16xf32>,
        %get3A_301 = arith.index_cast %scan3A_278 : i32 to index
        %get3A_302 = arith.constant 32 : index
        %get3A_303 = tpu.vector_load %arg7[%get3A_301, %get3A_302] {strides = array<i32>} : memref<50x128xf32, #tpu.memory_space<vmem>>, vector<1x16xf32>,
        %get3A_304 = vector.shape_cast %get3A_303 : vector<1x16xf32> to vector<16xf32>
        %mul3A_305 = vector.broadcast %squeeze3A : f32 to vector<16xf32>
        %mul3A_306 = arith.mulf %get3A_304, %mul3A_305 : vector<16xf32>
        %swap3A_307 = arith.index_cast %scan3A_278 : i32 to index
        %swap3A_308 = arith.constant 32 : index
        %swap3A_309 = tpu.vector_load %arg7[%swap3A_307, %swap3A_308] {strides = array<i32>} : memref<50x128xf32, #tpu.memory_space<vmem>>, vector<1x16xf32>,
        %swap3A_310 = vector.shape_cast %swap3A_309 : vector<1x16xf32> to vector<16xf32>
        %swap3A_311 = vector.shape_cast %mul3A_306 : vector<16xf32> to vector<1x16xf32>
        tpu.vector_store %arg7[%swap3A_307, %swap3A_308], %swap3A_311 {strides = array<i32>} : memref<50x128xf32, #tpu.memory_space<vmem>>, vector<1x16xf32>,
        %get3A_312 = arith.index_cast %scan3A_278 : i32 to index
        %get3A_313 = arith.constant 48 : index
        %get3A_314 = tpu.vector_load %arg7[%get3A_312, %get3A_313] {strides = array<i32>} : memref<50x128xf32, #tpu.memory_space<vmem>>, vector<1x16xf32>,
        %get3A_315 = vector.shape_cast %get3A_314 : vector<1x16xf32> to vector<16xf32>
        %mul3A_316 = vector.broadcast %squeeze3A : f32 to vector<16xf32>
        %mul3A_317 = arith.mulf %get3A_315, %mul3A_316 : vector<16xf32>
        %swap3A_318 = arith.index_cast %scan3A_278 : i32 to index
        %swap3A_319 = arith.constant 48 : index
        %swap3A_320 = tpu.vector_load %arg7[%swap3A_318, %swap3A_319] {strides = array<i32>} : memref<50x128xf32, #tpu.memory_space<vmem>>, vector<1x16xf32>,
        %swap3A_321 = vector.shape_cast %swap3A_320 : vector<1x16xf32> to vector<16xf32>
        %swap3A_322 = vector.shape_cast %mul3A_317 : vector<16xf32> to vector<1x16xf32>
        tpu.vector_store %arg7[%swap3A_318, %swap3A_319], %swap3A_322 {strides = array<i32>} : memref<50x128xf32, #tpu.memory_space<vmem>>, vector<1x16xf32>,
        %scan3A_323 = arith.constant 3 : i32
        %scan3A_324 = arith.addi %scan3A_187, %scan3A_323 : i32
        %get3A_325 = arith.index_cast %scan3A_324 : i32 to index
        %get3A_326 = arith.constant 0 : index
        %get3A_327 = tpu.vector_load %arg7[%get3A_325, %get3A_326] {strides = array<i32>} : memref<50x128xf32, #tpu.memory_space<vmem>>, vector<1x16xf32>,
        %get3A_328 = vector.shape_cast %get3A_327 : vector<1x16xf32> to vector<16xf32>
        %mul3A_329 = vector.broadcast %squeeze3A : f32 to vector<16xf32>
        %mul3A_330 = arith.mulf %get3A_328, %mul3A_329 : vector<16xf32>
        %swap3A_331 = arith.index_cast %scan3A_324 : i32 to index
        %swap3A_332 = arith.constant 0 : index
        %swap3A_333 = tpu.vector_load %arg7[%swap3A_331, %swap3A_332] {strides = array<i32>} : memref<50x128xf32, #tpu.memory_space<vmem>>, vector<1x16xf32>,
        %swap3A_334 = vector.shape_cast %swap3A_333 : vector<1x16xf32> to vector<16xf32>
        %swap3A_335 = vector.shape_cast %mul3A_330 : vector<16xf32> to vector<1x16xf32>
        tpu.vector_store %arg7[%swap3A_331, %swap3A_332], %swap3A_335 {strides = array<i32>} : memref<50x128xf32, #tpu.memory_space<vmem>>, vector<1x16xf32>,
        %get3A_336 = arith.index_cast %scan3A_324 : i32 to index
        %get3A_337 = arith.constant 16 : index
        %get3A_338 = tpu.vector_load %arg7[%get3A_336, %get3A_337] {strides = array<i32>} : memref<50x128xf32, #tpu.memory_space<vmem>>, vector<1x16xf32>,
        %get3A_339 = vector.shape_cast %get3A_338 : vector<1x16xf32> to vector<16xf32>
        %mul3A_340 = vector.broadcast %squeeze3A : f32 to vector<16xf32>
        %mul3A_341 = arith.mulf %get3A_339, %mul3A_340 : vector<16xf32>
        %swap3A_342 = arith.index_cast %scan3A_324 : i32 to index
        %swap3A_343 = arith.constant 16 : index
        %swap3A_344 = tpu.vector_load %arg7[%swap3A_342, %swap3A_343] {strides = array<i32>} : memref<50x128xf32, #tpu.memory_space<vmem>>, vector<1x16xf32>,
        %swap3A_345 = vector.shape_cast %swap3A_344 : vector<1x16xf32> to vector<16xf32>
        %swap3A_346 = vector.shape_cast %mul3A_341 : vector<16xf32> to vector<1x16xf32>
        tpu.vector_store %arg7[%swap3A_342, %swap3A_343], %swap3A_346 {strides = array<i32>} : memref<50x128xf32, #tpu.memory_space<vmem>>, vector<1x16xf32>,
        %get3A_347 = arith.index_cast %scan3A_324 : i32 to index
        %get3A_348 = arith.constant 32 : index
        %get3A_349 = tpu.vector_load %arg7[%get3A_347, %get3A_348] {strides = array<i32>} : memref<50x128xf32, #tpu.memory_space<vmem>>, vector<1x16xf32>,
        %get3A_350 = vector.shape_cast %get3A_349 : vector<1x16xf32> to vector<16xf32>
        %mul3A_351 = vector.broadcast %squeeze3A : f32 to vector<16xf32>
        %mul3A_352 = arith.mulf %get3A_350, %mul3A_351 : vector<16xf32>
        %swap3A_353 = arith.index_cast %scan3A_324 : i32 to index
        %swap3A_354 = arith.constant 32 : index
        %swap3A_355 = tpu.vector_load %arg7[%swap3A_353, %swap3A_354] {strides = array<i32>} : memref<50x128xf32, #tpu.memory_space<vmem>>, vector<1x16xf32>,
        %swap3A_356 = vector.shape_cast %swap3A_355 : vector<1x16xf32> to vector<16xf32>
        %swap3A_357 = vector.shape_cast %mul3A_352 : vector<16xf32> to vector<1x16xf32>
        tpu.vector_store %arg7[%swap3A_353, %swap3A_354], %swap3A_357 {strides = array<i32>} : memref<50x128xf32, #tpu.memory_space<vmem>>, vector<1x16xf32>,
        %get3A_358 = arith.index_cast %scan3A_324 : i32 to index
        %get3A_359 = arith.constant 48 : index
        %get3A_360 = tpu.vector_load %arg7[%get3A_358, %get3A_359] {strides = array<i32>} : memref<50x128xf32, #tpu.memory_space<vmem>>, vector<1x16xf32>,
        %get3A_361 = vector.shape_cast %get3A_360 : vector<1x16xf32> to vector<16xf32>
        %mul3A_362 = vector.broadcast %squeeze3A : f32 to vector<16xf32>
        %mul3A_363 = arith.mulf %get3A_361, %mul3A_362 : vector<16xf32>
        %swap3A_364 = arith.index_cast %scan3A_324 : i32 to index
        %swap3A_365 = arith.constant 48 : index
        %swap3A_366 = tpu.vector_load %arg7[%swap3A_364, %swap3A_365] {strides = array<i32>} : memref<50x128xf32, #tpu.memory_space<vmem>>, vector<1x16xf32>,
        %swap3A_367 = vector.shape_cast %swap3A_366 : vector<1x16xf32> to vector<16xf32>
        %swap3A_368 = vector.shape_cast %mul3A_363 : vector<16xf32> to vector<1x16xf32>
        tpu.vector_store %arg7[%swap3A_364, %swap3A_365], %swap3A_368 {strides = array<i32>} : memref<50x128xf32, #tpu.memory_space<vmem>>, vector<1x16xf32>,
        %scan3A_369 = arith.constant 4 : i32
        %scan3A_370 = arith.addi %scan3A_187, %scan3A_369 : i32
        %get3A_371 = arith.index_cast %scan3A_370 : i32 to index
        %get3A_372 = arith.constant 0 : index
        %get3A_373 = tpu.vector_load %arg7[%get3A_371, %get3A_372] {strides = array<i32>} : memref<50x128xf32, #tpu.memory_space<vmem>>, vector<1x16xf32>,
        %get3A_374 = vector.shape_cast %get3A_373 : vector<1x16xf32> to vector<16xf32>
        %mul3A_375 = vector.broadcast %squeeze3A : f32 to vector<16xf32>
        %mul3A_376 = arith.mulf %get3A_374, %mul3A_375 : vector<16xf32>
        %swap3A_377 = arith.index_cast %scan3A_370 : i32 to index
        %swap3A_378 = arith.constant 0 : index
        %swap3A_379 = tpu.vector_load %arg7[%swap3A_377, %swap3A_378] {strides = array<i32>} : memref<50x128xf32, #tpu.memory_space<vmem>>, vector<1x16xf32>,
        %swap3A_380 = vector.shape_cast %swap3A_379 : vector<1x16xf32> to vector<16xf32>
        %swap3A_381 = vector.shape_cast %mul3A_376 : vector<16xf32> to vector<1x16xf32>
        tpu.vector_store %arg7[%swap3A_377, %swap3A_378], %swap3A_381 {strides = array<i32>} : memref<50x128xf32, #tpu.memory_space<vmem>>, vector<1x16xf32>,
        %get3A_382 = arith.index_cast %scan3A_370 : i32 to index
        %get3A_383 = arith.constant 16 : index
        %get3A_384 = tpu.vector_load %arg7[%get3A_382, %get3A_383] {strides = array<i32>} : memref<50x128xf32, #tpu.memory_space<vmem>>, vector<1x16xf32>,
        %get3A_385 = vector.shape_cast %get3A_384 : vector<1x16xf32> to vector<16xf32>
        %mul3A_386 = vector.broadcast %squeeze3A : f32 to vector<16xf32>
        %mul3A_387 = arith.mulf %get3A_385, %mul3A_386 : vector<16xf32>
        %swap3A_388 = arith.index_cast %scan3A_370 : i32 to index
        %swap3A_389 = arith.constant 16 : index
        %swap3A_390 = tpu.vector_load %arg7[%swap3A_388, %swap3A_389] {strides = array<i32>} : memref<50x128xf32, #tpu.memory_space<vmem>>, vector<1x16xf32>,
        %swap3A_391 = vector.shape_cast %swap3A_390 : vector<1x16xf32> to vector<16xf32>
        %swap3A_392 = vector.shape_cast %mul3A_387 : vector<16xf32> to vector<1x16xf32>
        tpu.vector_store %arg7[%swap3A_388, %swap3A_389], %swap3A_392 {strides = array<i32>} : memref<50x128xf32, #tpu.memory_space<vmem>>, vector<1x16xf32>,
        %get3A_393 = arith.index_cast %scan3A_370 : i32 to index
        %get3A_394 = arith.constant 32 : index
        %get3A_395 = tpu.vector_load %arg7[%get3A_393, %get3A_394] {strides = array<i32>} : memref<50x128xf32, #tpu.memory_space<vmem>>, vector<1x16xf32>,
        %get3A_396 = vector.shape_cast %get3A_395 : vector<1x16xf32> to vector<16xf32>
        %mul3A_397 = vector.broadcast %squeeze3A : f32 to vector<16xf32>
        %mul3A_398 = arith.mulf %get3A_396, %mul3A_397 : vector<16xf32>
        %swap3A_399 = arith.index_cast %scan3A_370 : i32 to index
        %swap3A_400 = arith.constant 32 : index
        %swap3A_401 = tpu.vector_load %arg7[%swap3A_399, %swap3A_400] {strides = array<i32>} : memref<50x128xf32, #tpu.memory_space<vmem>>, vector<1x16xf32>,
        %swap3A_402 = vector.shape_cast %swap3A_401 : vector<1x16xf32> to vector<16xf32>
        %swap3A_403 = vector.shape_cast %mul3A_398 : vector<16xf32> to vector<1x16xf32>
        tpu.vector_store %arg7[%swap3A_399, %swap3A_400], %swap3A_403 {strides = array<i32>} : memref<50x128xf32, #tpu.memory_space<vmem>>, vector<1x16xf32>,
        %get3A_404 = arith.index_cast %scan3A_370 : i32 to index
        %get3A_405 = arith.constant 48 : index
        %get3A_406 = tpu.vector_load %arg7[%get3A_404, %get3A_405] {strides = array<i32>} : memref<50x128xf32, #tpu.memory_space<vmem>>, vector<1x16xf32>,
        %get3A_407 = vector.shape_cast %get3A_406 : vector<1x16xf32> to vector<16xf32>
        %mul3A_408 = vector.broadcast %squeeze3A : f32 to vector<16xf32>
        %mul3A_409 = arith.mulf %get3A_407, %mul3A_408 : vector<16xf32>
        %swap3A_410 = arith.index_cast %scan3A_370 : i32 to index
        %swap3A_411 = arith.constant 48 : index
        %swap3A_412 = tpu.vector_load %arg7[%swap3A_410, %swap3A_411] {strides = array<i32>} : memref<50x128xf32, #tpu.memory_space<vmem>>, vector<1x16xf32>,
        %swap3A_413 = vector.shape_cast %swap3A_412 : vector<1x16xf32> to vector<16xf32>
        %swap3A_414 = vector.shape_cast %mul3A_409 : vector<16xf32> to vector<1x16xf32>
        tpu.vector_store %arg7[%swap3A_410, %swap3A_411], %swap3A_414 {strides = array<i32>} : memref<50x128xf32, #tpu.memory_space<vmem>>, vector<1x16xf32>,
      }
      %scan3A_63 = arith.constant 50 : i32
      %add3A_64 = arith.addi %mul3A_6, %add3A_41 : i32
      %dma_start3A_65 = arith.constant 0 : i32
      %dma_start3A_66 = arith.constant 0 : i32
      %dma_start3A_67 = tpu.memref_slice %arg5[%add3A_64, %dma_start3A_65, %dma_start3A_66] : memref<4096x50x128xf32, #tpu.memory_space<hbm>> -> memref<1x50x128xf32, #tpu.memory_space<hbm>>
      %dma_start3A_68 = tpu.memref_squeeze %dma_start3A_67 : memref<1x50x128xf32, #tpu.memory_space<hbm>> -> memref<50x128xf32, #tpu.memory_space<hbm>>
      %dma_start3A_69 = arith.constant 0 : i32
      %dma_start3A_70 = arith.constant 0 : i32
      %dma_start3A_71 = tpu.memref_slice %arg5[%add3A_64, %dma_start3A_69, %dma_start3A_70] : memref<4096x50x128xf32, #tpu.memory_space<hbm>> -> memref<1x50x128xf32, #tpu.memory_space<hbm>>
      %dma_start3A_72 = tpu.memref_squeeze %dma_start3A_71 : memref<1x50x128xf32, #tpu.memory_space<hbm>> -> memref<50x128xf32, #tpu.memory_space<hbm>>
      tpu.enqueue_dma source(%arg7 : memref<50x128xf32, #tpu.memory_space<vmem>>) target(%dma_start3A_72 : memref<50x128xf32, #tpu.memory_space<hbm>>) target_semaphore(%arg15 : memref<!tpu.dma_semaphore, #tpu.memory_space<semaphore_mem>>)
      %add3A_73 = arith.constant 1 : i32
      %add3A_74 = arith.addi %add3A_39, %add3A_73 : i32
      %add3A_75 = arith.constant 2 : i32
      %add3A_76 = arith.addi %add3A_74, %add3A_75 : i32
      %sub3A_77 = arith.constant 4 : i32
      %sub3A_78 = arith.subi %add3A_76, %sub3A_77 : i32
      %ge3A_79 = arith.constant 0 : i32
      %ge3A_80 = arith.cmpi sge, %sub3A_78, %ge3A_79 : i32
      %convert_element_type3A_81 = arith.extui %ge3A_80 : i1 to i32
      %cond3A_82 = arith.constant 0 : i32
      %cond3A_83 = arith.cmpi ne, %convert_element_type3A_81, %cond3A_82 : i32
      scf.if %cond3A_83 {
        %dma_wait3A_187 = arith.constant 0 : i32
        %dma_wait3A_188 = arith.constant 0 : i32
        %dma_wait3A_189 = tpu.memref_slice %arg5[%mul3A_6, %dma_wait3A_187, %dma_wait3A_188] : memref<4096x50x128xf32, #tpu.memory_space<hbm>> -> memref<1x50x128xf32, #tpu.memory_space<hbm>>
        %dma_wait3A_190 = tpu.memref_squeeze %dma_wait3A_189 : memref<1x50x128xf32, #tpu.memory_space<hbm>> -> memref<50x128xf32, #tpu.memory_space<hbm>>
        %dma_wait3A_191 = arith.constant 0 : i32
        %dma_wait3A_192 = arith.constant 0 : i32
        %dma_wait3A_193 = tpu.memref_slice %arg5[%mul3A_6, %dma_wait3A_191, %dma_wait3A_192] : memref<4096x50x128xf32, #tpu.memory_space<hbm>> -> memref<1x50x128xf32, #tpu.memory_space<hbm>>
        %dma_wait3A_194 = tpu.memref_squeeze %dma_wait3A_193 : memref<1x50x128xf32, #tpu.memory_space<hbm>> -> memref<50x128xf32, #tpu.memory_space<hbm>>
        tpu.wait_dma2 semaphore(%arg18 : memref<!tpu.dma_semaphore, #tpu.memory_space<semaphore_mem>>) src(%arg10 : memref<50x128xf32, #tpu.memory_space<vmem>>) dst(%dma_wait3A_194 : memref<50x128xf32, #tpu.memory_space<hbm>>)
      } else {
      }
      %add3A_84 = arith.constant 2 : i32
      %add3A_85 = arith.addi %add3A_74, %add3A_84 : i32
      %lt3A_86 = arith.constant 128 : i32
      %lt3A_87 = arith.cmpi slt, %add3A_85, %lt3A_86 : i32
      %convert_element_type3A_88 = arith.extui %lt3A_87 : i1 to i32
      %cond3A_89 = arith.constant 0 : i32
      %cond3A_90 = arith.cmpi ne, %convert_element_type3A_88, %cond3A_89 : i32
      scf.if %cond3A_90 {
        %add3A_187 = arith.constant 2 : i32
        %add3A_188 = arith.addi %add3A_74, %add3A_187 : i32
        %mul3A_189 = arith.constant 56 : i32
        %mul3A_190 = arith.muli %add3A_188, %mul3A_189 : i32
        %dma_start3A_191 = tpu.memref_slice %arg6[%mul3A_190] : memref<7168xi32, #tpu.memory_space<vmem>> -> memref<50xi32, #tpu.memory_space<vmem>>
        %dma_start3A_192 = arith.constant 0 : i32
        %dma_start3A_193 = arith.constant 0 : i32
        %dma_start3A_194 = tpu.memref_slice %arg3[%dma_start3A_192, %dma_start3A_193] : memref<1000000x128xf32, #tpu.memory_space<hbm>> -> memref<1000000x128xf32, #tpu.memory_space<hbm>>
        tpu.enqueue_indirect_dma source(%dma_start3A_194 : memref<1000000x128xf32, #tpu.memory_space<hbm>>) target(%arg10 : memref<50x128xf32, #tpu.memory_space<vmem>>) offsets(%dma_start3A_191 : memref<50xi32, #tpu.memory_space<vmem>>) semaphore(%arg14 : memref<!tpu.dma_semaphore, #tpu.memory_space<semaphore_mem>>)
      } else {
      }
      %dma_wait3A_91 = arith.constant 0 : i32
      %dma_wait3A_92 = tpu.memref_slice %arg6[%dma_wait3A_91] : memref<7168xi32, #tpu.memory_space<vmem>> -> memref<50xi32, #tpu.memory_space<vmem>>
      %dma_wait3A_93 = arith.constant 0 : i32
      %dma_wait3A_94 = arith.constant 0 : i32
      %dma_wait3A_95 = tpu.memref_slice %arg3[%dma_wait3A_93, %dma_wait3A_94] : memref<1000000x128xf32, #tpu.memory_space<hbm>> -> memref<1000000x128xf32, #tpu.memory_space<hbm>>
      tpu.wait_indirect_dma semaphore(%arg12 : memref<!tpu.dma_semaphore, #tpu.memory_space<semaphore_mem>>) src(%dma_wait3A_95 : memref<1000000x128xf32, #tpu.memory_space<hbm>>) dst(%arg8 : memref<50x128xf32, #tpu.memory_space<vmem>>)
      %scan3A_96 = arith.constant 0 : i32
      %scan3A_97 = arith.constant 0 : i32
      %scan3A_98 = arith.constant 50 : i32
      %scan3A_99 = arith.addi %scan3A_97, %scan3A_98 : i32
      %scan3A_100 = arith.constant 5 : i32
      scf.for %scan3A_187 = %scan3A_97 to %scan3A_99 step %scan3A_100  : i32 {
        %get3A_188 = arith.index_cast %scan3A_187 : i32 to index
        %get3A_189 = arith.constant 0 : index
        %get3A_190 = tpu.vector_load %arg8[%get3A_188, %get3A_189] {strides = array<i32>} : memref<50x128xf32, #tpu.memory_space<vmem>>, vector<1x16xf32>,
        %get3A_191 = vector.shape_cast %get3A_190 : vector<1x16xf32> to vector<16xf32>
        %mul3A_192 = vector.broadcast %squeeze3A : f32 to vector<16xf32>
        %mul3A_193 = arith.mulf %get3A_191, %mul3A_192 : vector<16xf32>
        %swap3A = arith.index_cast %scan3A_187 : i32 to index
        %swap3A_194 = arith.constant 0 : index
        %swap3A_195 = tpu.vector_load %arg8[%swap3A, %swap3A_194] {strides = array<i32>} : memref<50x128xf32, #tpu.memory_space<vmem>>, vector<1x16xf32>,
        %swap3A_196 = vector.shape_cast %swap3A_195 : vector<1x16xf32> to vector<16xf32>
        %swap3A_197 = vector.shape_cast %mul3A_193 : vector<16xf32> to vector<1x16xf32>
        tpu.vector_store %arg8[%swap3A, %swap3A_194], %swap3A_197 {strides = array<i32>} : memref<50x128xf32, #tpu.memory_space<vmem>>, vector<1x16xf32>,
        %get3A_198 = arith.index_cast %scan3A_187 : i32 to index
        %get3A_199 = arith.constant 16 : index
        %get3A_200 = tpu.vector_load %arg8[%get3A_198, %get3A_199] {strides = array<i32>} : memref<50x128xf32, #tpu.memory_space<vmem>>, vector<1x16xf32>,
        %get3A_201 = vector.shape_cast %get3A_200 : vector<1x16xf32> to vector<16xf32>
        %mul3A_202 = vector.broadcast %squeeze3A : f32 to vector<16xf32>
        %mul3A_203 = arith.mulf %get3A_201, %mul3A_202 : vector<16xf32>
        %swap3A_204 = arith.index_cast %scan3A_187 : i32 to index
        %swap3A_205 = arith.constant 16 : index
        %swap3A_206 = tpu.vector_load %arg8[%swap3A_204, %swap3A_205] {strides = array<i32>} : memref<50x128xf32, #tpu.memory_space<vmem>>, vector<1x16xf32>,
        %swap3A_207 = vector.shape_cast %swap3A_206 : vector<1x16xf32> to vector<16xf32>
        %swap3A_208 = vector.shape_cast %mul3A_203 : vector<16xf32> to vector<1x16xf32>
        tpu.vector_store %arg8[%swap3A_204, %swap3A_205], %swap3A_208 {strides = array<i32>} : memref<50x128xf32, #tpu.memory_space<vmem>>, vector<1x16xf32>,
        %get3A_209 = arith.index_cast %scan3A_187 : i32 to index
        %get3A_210 = arith.constant 32 : index
        %get3A_211 = tpu.vector_load %arg8[%get3A_209, %get3A_210] {strides = array<i32>} : memref<50x128xf32, #tpu.memory_space<vmem>>, vector<1x16xf32>,
        %get3A_212 = vector.shape_cast %get3A_211 : vector<1x16xf32> to vector<16xf32>
        %mul3A_213 = vector.broadcast %squeeze3A : f32 to vector<16xf32>
        %mul3A_214 = arith.mulf %get3A_212, %mul3A_213 : vector<16xf32>
        %swap3A_215 = arith.index_cast %scan3A_187 : i32 to index
        %swap3A_216 = arith.constant 32 : index
        %swap3A_217 = tpu.vector_load %arg8[%swap3A_215, %swap3A_216] {strides = array<i32>} : memref<50x128xf32, #tpu.memory_space<vmem>>, vector<1x16xf32>,
        %swap3A_218 = vector.shape_cast %swap3A_217 : vector<1x16xf32> to vector<16xf32>
        %swap3A_219 = vector.shape_cast %mul3A_214 : vector<16xf32> to vector<1x16xf32>
        tpu.vector_store %arg8[%swap3A_215, %swap3A_216], %swap3A_219 {strides = array<i32>} : memref<50x128xf32, #tpu.memory_space<vmem>>, vector<1x16xf32>,
        %get3A_220 = arith.index_cast %scan3A_187 : i32 to index
        %get3A_221 = arith.constant 48 : index
        %get3A_222 = tpu.vector_load %arg8[%get3A_220, %get3A_221] {strides = array<i32>} : memref<50x128xf32, #tpu.memory_space<vmem>>, vector<1x16xf32>,
        %get3A_223 = vector.shape_cast %get3A_222 : vector<1x16xf32> to vector<16xf32>
        %mul3A_224 = vector.broadcast %squeeze3A : f32 to vector<16xf32>
        %mul3A_225 = arith.mulf %get3A_223, %mul3A_224 : vector<16xf32>
        %swap3A_226 = arith.index_cast %scan3A_187 : i32 to index
        %swap3A_227 = arith.constant 48 : index
        %swap3A_228 = tpu.vector_load %arg8[%swap3A_226, %swap3A_227] {strides = array<i32>} : memref<50x128xf32, #tpu.memory_space<vmem>>, vector<1x16xf32>,
        %swap3A_229 = vector.shape_cast %swap3A_228 : vector<1x16xf32> to vector<16xf32>
        %swap3A_230 = vector.shape_cast %mul3A_225 : vector<16xf32> to vector<1x16xf32>
        tpu.vector_store %arg8[%swap3A_226, %swap3A_227], %swap3A_230 {strides = array<i32>} : memref<50x128xf32, #tpu.memory_space<vmem>>, vector<1x16xf32>,
        %scan3A_231 = arith.constant 1 : i32
        %scan3A_232 = arith.addi %scan3A_187, %scan3A_231 : i32
        %get3A_233 = arith.index_cast %scan3A_232 : i32 to index
        %get3A_234 = arith.constant 0 : index
        %get3A_235 = tpu.vector_load %arg8[%get3A_233, %get3A_234] {strides = array<i32>} : memref<50x128xf32, #tpu.memory_space<vmem>>, vector<1x16xf32>,
        %get3A_236 = vector.shape_cast %get3A_235 : vector<1x16xf32> to vector<16xf32>
        %mul3A_237 = vector.broadcast %squeeze3A : f32 to vector<16xf32>
        %mul3A_238 = arith.mulf %get3A_236, %mul3A_237 : vector<16xf32>
        %swap3A_239 = arith.index_cast %scan3A_232 : i32 to index
        %swap3A_240 = arith.constant 0 : index
        %swap3A_241 = tpu.vector_load %arg8[%swap3A_239, %swap3A_240] {strides = array<i32>} : memref<50x128xf32, #tpu.memory_space<vmem>>, vector<1x16xf32>,
        %swap3A_242 = vector.shape_cast %swap3A_241 : vector<1x16xf32> to vector<16xf32>
        %swap3A_243 = vector.shape_cast %mul3A_238 : vector<16xf32> to vector<1x16xf32>
        tpu.vector_store %arg8[%swap3A_239, %swap3A_240], %swap3A_243 {strides = array<i32>} : memref<50x128xf32, #tpu.memory_space<vmem>>, vector<1x16xf32>,
        %get3A_244 = arith.index_cast %scan3A_232 : i32 to index
        %get3A_245 = arith.constant 16 : index
        %get3A_246 = tpu.vector_load %arg8[%get3A_244, %get3A_245] {strides = array<i32>} : memref<50x128xf32, #tpu.memory_space<vmem>>, vector<1x16xf32>,
        %get3A_247 = vector.shape_cast %get3A_246 : vector<1x16xf32> to vector<16xf32>
        %mul3A_248 = vector.broadcast %squeeze3A : f32 to vector<16xf32>
        %mul3A_249 = arith.mulf %get3A_247, %mul3A_248 : vector<16xf32>
        %swap3A_250 = arith.index_cast %scan3A_232 : i32 to index
        %swap3A_251 = arith.constant 16 : index
        %swap3A_252 = tpu.vector_load %arg8[%swap3A_250, %swap3A_251] {strides = array<i32>} : memref<50x128xf32, #tpu.memory_space<vmem>>, vector<1x16xf32>,
        %swap3A_253 = vector.shape_cast %swap3A_252 : vector<1x16xf32> to vector<16xf32>
        %swap3A_254 = vector.shape_cast %mul3A_249 : vector<16xf32> to vector<1x16xf32>
        tpu.vector_store %arg8[%swap3A_250, %swap3A_251], %swap3A_254 {strides = array<i32>} : memref<50x128xf32, #tpu.memory_space<vmem>>, vector<1x16xf32>,
        %get3A_255 = arith.index_cast %scan3A_232 : i32 to index
        %get3A_256 = arith.constant 32 : index
        %get3A_257 = tpu.vector_load %arg8[%get3A_255, %get3A_256] {strides = array<i32>} : memref<50x128xf32, #tpu.memory_space<vmem>>, vector<1x16xf32>,
        %get3A_258 = vector.shape_cast %get3A_257 : vector<1x16xf32> to vector<16xf32>
        %mul3A_259 = vector.broadcast %squeeze3A : f32 to vector<16xf32>
        %mul3A_260 = arith.mulf %get3A_258, %mul3A_259 : vector<16xf32>
        %swap3A_261 = arith.index_cast %scan3A_232 : i32 to index
        %swap3A_262 = arith.constant 32 : index
        %swap3A_263 = tpu.vector_load %arg8[%swap3A_261, %swap3A_262] {strides = array<i32>} : memref<50x128xf32, #tpu.memory_space<vmem>>, vector<1x16xf32>,
        %swap3A_264 = vector.shape_cast %swap3A_263 : vector<1x16xf32> to vector<16xf32>
        %swap3A_265 = vector.shape_cast %mul3A_260 : vector<16xf32> to vector<1x16xf32>
        tpu.vector_store %arg8[%swap3A_261, %swap3A_262], %swap3A_265 {strides = array<i32>} : memref<50x128xf32, #tpu.memory_space<vmem>>, vector<1x16xf32>,
        %get3A_266 = arith.index_cast %scan3A_232 : i32 to index
        %get3A_267 = arith.constant 48 : index
        %get3A_268 = tpu.vector_load %arg8[%get3A_266, %get3A_267] {strides = array<i32>} : memref<50x128xf32, #tpu.memory_space<vmem>>, vector<1x16xf32>,
        %get3A_269 = vector.shape_cast %get3A_268 : vector<1x16xf32> to vector<16xf32>
        %mul3A_270 = vector.broadcast %squeeze3A : f32 to vector<16xf32>
        %mul3A_271 = arith.mulf %get3A_269, %mul3A_270 : vector<16xf32>
        %swap3A_272 = arith.index_cast %scan3A_232 : i32 to index
        %swap3A_273 = arith.constant 48 : index
        %swap3A_274 = tpu.vector_load %arg8[%swap3A_272, %swap3A_273] {strides = array<i32>} : memref<50x128xf32, #tpu.memory_space<vmem>>, vector<1x16xf32>,
        %swap3A_275 = vector.shape_cast %swap3A_274 : vector<1x16xf32> to vector<16xf32>
        %swap3A_276 = vector.shape_cast %mul3A_271 : vector<16xf32> to vector<1x16xf32>
        tpu.vector_store %arg8[%swap3A_272, %swap3A_273], %swap3A_276 {strides = array<i32>} : memref<50x128xf32, #tpu.memory_space<vmem>>, vector<1x16xf32>,
        %scan3A_277 = arith.constant 2 : i32
        %scan3A_278 = arith.addi %scan3A_187, %scan3A_277 : i32
        %get3A_279 = arith.index_cast %scan3A_278 : i32 to index
        %get3A_280 = arith.constant 0 : index
        %get3A_281 = tpu.vector_load %arg8[%get3A_279, %get3A_280] {strides = array<i32>} : memref<50x128xf32, #tpu.memory_space<vmem>>, vector<1x16xf32>,
        %get3A_282 = vector.shape_cast %get3A_281 : vector<1x16xf32> to vector<16xf32>
        %mul3A_283 = vector.broadcast %squeeze3A : f32 to vector<16xf32>
        %mul3A_284 = arith.mulf %get3A_282, %mul3A_283 : vector<16xf32>
        %swap3A_285 = arith.index_cast %scan3A_278 : i32 to index
        %swap3A_286 = arith.constant 0 : index
        %swap3A_287 = tpu.vector_load %arg8[%swap3A_285, %swap3A_286] {strides = array<i32>} : memref<50x128xf32, #tpu.memory_space<vmem>>, vector<1x16xf32>,
        %swap3A_288 = vector.shape_cast %swap3A_287 : vector<1x16xf32> to vector<16xf32>
        %swap3A_289 = vector.shape_cast %mul3A_284 : vector<16xf32> to vector<1x16xf32>
        tpu.vector_store %arg8[%swap3A_285, %swap3A_286], %swap3A_289 {strides = array<i32>} : memref<50x128xf32, #tpu.memory_space<vmem>>, vector<1x16xf32>,
        %get3A_290 = arith.index_cast %scan3A_278 : i32 to index
        %get3A_291 = arith.constant 16 : index
        %get3A_292 = tpu.vector_load %arg8[%get3A_290, %get3A_291] {strides = array<i32>} : memref<50x128xf32, #tpu.memory_space<vmem>>, vector<1x16xf32>,
        %get3A_293 = vector.shape_cast %get3A_292 : vector<1x16xf32> to vector<16xf32>
        %mul3A_294 = vector.broadcast %squeeze3A : f32 to vector<16xf32>
        %mul3A_295 = arith.mulf %get3A_293, %mul3A_294 : vector<16xf32>
        %swap3A_296 = arith.index_cast %scan3A_278 : i32 to index
        %swap3A_297 = arith.constant 16 : index
        %swap3A_298 = tpu.vector_load %arg8[%swap3A_296, %swap3A_297] {strides = array<i32>} : memref<50x128xf32, #tpu.memory_space<vmem>>, vector<1x16xf32>,
        %swap3A_299 = vector.shape_cast %swap3A_298 : vector<1x16xf32> to vector<16xf32>
        %swap3A_300 = vector.shape_cast %mul3A_295 : vector<16xf32> to vector<1x16xf32>
        tpu.vector_store %arg8[%swap3A_296, %swap3A_297], %swap3A_300 {strides = array<i32>} : memref<50x128xf32, #tpu.memory_space<vmem>>, vector<1x16xf32>,
        %get3A_301 = arith.index_cast %scan3A_278 : i32 to index
        %get3A_302 = arith.constant 32 : index
        %get3A_303 = tpu.vector_load %arg8[%get3A_301, %get3A_302] {strides = array<i32>} : memref<50x128xf32, #tpu.memory_space<vmem>>, vector<1x16xf32>,
        %get3A_304 = vector.shape_cast %get3A_303 : vector<1x16xf32> to vector<16xf32>
        %mul3A_305 = vector.broadcast %squeeze3A : f32 to vector<16xf32>
        %mul3A_306 = arith.mulf %get3A_304, %mul3A_305 : vector<16xf32>
        %swap3A_307 = arith.index_cast %scan3A_278 : i32 to index
        %swap3A_308 = arith.constant 32 : index
        %swap3A_309 = tpu.vector_load %arg8[%swap3A_307, %swap3A_308] {strides = array<i32>} : memref<50x128xf32, #tpu.memory_space<vmem>>, vector<1x16xf32>,
        %swap3A_310 = vector.shape_cast %swap3A_309 : vector<1x16xf32> to vector<16xf32>
        %swap3A_311 = vector.shape_cast %mul3A_306 : vector<16xf32> to vector<1x16xf32>
        tpu.vector_store %arg8[%swap3A_307, %swap3A_308], %swap3A_311 {strides = array<i32>} : memref<50x128xf32, #tpu.memory_space<vmem>>, vector<1x16xf32>,
        %get3A_312 = arith.index_cast %scan3A_278 : i32 to index
        %get3A_313 = arith.constant 48 : index
        %get3A_314 = tpu.vector_load %arg8[%get3A_312, %get3A_313] {strides = array<i32>} : memref<50x128xf32, #tpu.memory_space<vmem>>, vector<1x16xf32>,
        %get3A_315 = vector.shape_cast %get3A_314 : vector<1x16xf32> to vector<16xf32>
        %mul3A_316 = vector.broadcast %squeeze3A : f32 to vector<16xf32>
        %mul3A_317 = arith.mulf %get3A_315, %mul3A_316 : vector<16xf32>
        %swap3A_318 = arith.index_cast %scan3A_278 : i32 to index
        %swap3A_319 = arith.constant 48 : index
        %swap3A_320 = tpu.vector_load %arg8[%swap3A_318, %swap3A_319] {strides = array<i32>} : memref<50x128xf32, #tpu.memory_space<vmem>>, vector<1x16xf32>,
        %swap3A_321 = vector.shape_cast %swap3A_320 : vector<1x16xf32> to vector<16xf32>
        %swap3A_322 = vector.shape_cast %mul3A_317 : vector<16xf32> to vector<1x16xf32>
        tpu.vector_store %arg8[%swap3A_318, %swap3A_319], %swap3A_322 {strides = array<i32>} : memref<50x128xf32, #tpu.memory_space<vmem>>, vector<1x16xf32>,
        %scan3A_323 = arith.constant 3 : i32
        %scan3A_324 = arith.addi %scan3A_187, %scan3A_323 : i32
        %get3A_325 = arith.index_cast %scan3A_324 : i32 to index
        %get3A_326 = arith.constant 0 : index
        %get3A_327 = tpu.vector_load %arg8[%get3A_325, %get3A_326] {strides = array<i32>} : memref<50x128xf32, #tpu.memory_space<vmem>>, vector<1x16xf32>,
        %get3A_328 = vector.shape_cast %get3A_327 : vector<1x16xf32> to vector<16xf32>
        %mul3A_329 = vector.broadcast %squeeze3A : f32 to vector<16xf32>
        %mul3A_330 = arith.mulf %get3A_328, %mul3A_329 : vector<16xf32>
        %swap3A_331 = arith.index_cast %scan3A_324 : i32 to index
        %swap3A_332 = arith.constant 0 : index
        %swap3A_333 = tpu.vector_load %arg8[%swap3A_331, %swap3A_332] {strides = array<i32>} : memref<50x128xf32, #tpu.memory_space<vmem>>, vector<1x16xf32>,
        %swap3A_334 = vector.shape_cast %swap3A_333 : vector<1x16xf32> to vector<16xf32>
        %swap3A_335 = vector.shape_cast %mul3A_330 : vector<16xf32> to vector<1x16xf32>
        tpu.vector_store %arg8[%swap3A_331, %swap3A_332], %swap3A_335 {strides = array<i32>} : memref<50x128xf32, #tpu.memory_space<vmem>>, vector<1x16xf32>,
        %get3A_336 = arith.index_cast %scan3A_324 : i32 to index
        %get3A_337 = arith.constant 16 : index
        %get3A_338 = tpu.vector_load %arg8[%get3A_336, %get3A_337] {strides = array<i32>} : memref<50x128xf32, #tpu.memory_space<vmem>>, vector<1x16xf32>,
        %get3A_339 = vector.shape_cast %get3A_338 : vector<1x16xf32> to vector<16xf32>
        %mul3A_340 = vector.broadcast %squeeze3A : f32 to vector<16xf32>
        %mul3A_341 = arith.mulf %get3A_339, %mul3A_340 : vector<16xf32>
        %swap3A_342 = arith.index_cast %scan3A_324 : i32 to index
        %swap3A_343 = arith.constant 16 : index
        %swap3A_344 = tpu.vector_load %arg8[%swap3A_342, %swap3A_343] {strides = array<i32>} : memref<50x128xf32, #tpu.memory_space<vmem>>, vector<1x16xf32>,
        %swap3A_345 = vector.shape_cast %swap3A_344 : vector<1x16xf32> to vector<16xf32>
        %swap3A_346 = vector.shape_cast %mul3A_341 : vector<16xf32> to vector<1x16xf32>
        tpu.vector_store %arg8[%swap3A_342, %swap3A_343], %swap3A_346 {strides = array<i32>} : memref<50x128xf32, #tpu.memory_space<vmem>>, vector<1x16xf32>,
        %get3A_347 = arith.index_cast %scan3A_324 : i32 to index
        %get3A_348 = arith.constant 32 : index
        %get3A_349 = tpu.vector_load %arg8[%get3A_347, %get3A_348] {strides = array<i32>} : memref<50x128xf32, #tpu.memory_space<vmem>>, vector<1x16xf32>,
        %get3A_350 = vector.shape_cast %get3A_349 : vector<1x16xf32> to vector<16xf32>
        %mul3A_351 = vector.broadcast %squeeze3A : f32 to vector<16xf32>
        %mul3A_352 = arith.mulf %get3A_350, %mul3A_351 : vector<16xf32>
        %swap3A_353 = arith.index_cast %scan3A_324 : i32 to index
        %swap3A_354 = arith.constant 32 : index
        %swap3A_355 = tpu.vector_load %arg8[%swap3A_353, %swap3A_354] {strides = array<i32>} : memref<50x128xf32, #tpu.memory_space<vmem>>, vector<1x16xf32>,
        %swap3A_356 = vector.shape_cast %swap3A_355 : vector<1x16xf32> to vector<16xf32>
        %swap3A_357 = vector.shape_cast %mul3A_352 : vector<16xf32> to vector<1x16xf32>
        tpu.vector_store %arg8[%swap3A_353, %swap3A_354], %swap3A_357 {strides = array<i32>} : memref<50x128xf32, #tpu.memory_space<vmem>>, vector<1x16xf32>,
        %get3A_358 = arith.index_cast %scan3A_324 : i32 to index
        %get3A_359 = arith.constant 48 : index
        %get3A_360 = tpu.vector_load %arg8[%get3A_358, %get3A_359] {strides = array<i32>} : memref<50x128xf32, #tpu.memory_space<vmem>>, vector<1x16xf32>,
        %get3A_361 = vector.shape_cast %get3A_360 : vector<1x16xf32> to vector<16xf32>
        %mul3A_362 = vector.broadcast %squeeze3A : f32 to vector<16xf32>
        %mul3A_363 = arith.mulf %get3A_361, %mul3A_362 : vector<16xf32>
        %swap3A_364 = arith.index_cast %scan3A_324 : i32 to index
        %swap3A_365 = arith.constant 48 : index
        %swap3A_366 = tpu.vector_load %arg8[%swap3A_364, %swap3A_365] {strides = array<i32>} : memref<50x128xf32, #tpu.memory_space<vmem>>, vector<1x16xf32>,
        %swap3A_367 = vector.shape_cast %swap3A_366 : vector<1x16xf32> to vector<16xf32>
        %swap3A_368 = vector.shape_cast %mul3A_363 : vector<16xf32> to vector<1x16xf32>
        tpu.vector_store %arg8[%swap3A_364, %swap3A_365], %swap3A_368 {strides = array<i32>} : memref<50x128xf32, #tpu.memory_space<vmem>>, vector<1x16xf32>,
        %scan3A_369 = arith.constant 4 : i32
        %scan3A_370 = arith.addi %scan3A_187, %scan3A_369 : i32
        %get3A_371 = arith.index_cast %scan3A_370 : i32 to index
        %get3A_372 = arith.constant 0 : index
        %get3A_373 = tpu.vector_load %arg8[%get3A_371, %get3A_372] {strides = array<i32>} : memref<50x128xf32, #tpu.memory_space<vmem>>, vector<1x16xf32>,
        %get3A_374 = vector.shape_cast %get3A_373 : vector<1x16xf32> to vector<16xf32>
        %mul3A_375 = vector.broadcast %squeeze3A : f32 to vector<16xf32>
        %mul3A_376 = arith.mulf %get3A_374, %mul3A_375 : vector<16xf32>
        %swap3A_377 = arith.index_cast %scan3A_370 : i32 to index
        %swap3A_378 = arith.constant 0 : index
        %swap3A_379 = tpu.vector_load %arg8[%swap3A_377, %swap3A_378] {strides = array<i32>} : memref<50x128xf32, #tpu.memory_space<vmem>>, vector<1x16xf32>,
        %swap3A_380 = vector.shape_cast %swap3A_379 : vector<1x16xf32> to vector<16xf32>
        %swap3A_381 = vector.shape_cast %mul3A_376 : vector<16xf32> to vector<1x16xf32>
        tpu.vector_store %arg8[%swap3A_377, %swap3A_378], %swap3A_381 {strides = array<i32>} : memref<50x128xf32, #tpu.memory_space<vmem>>, vector<1x16xf32>,
        %get3A_382 = arith.index_cast %scan3A_370 : i32 to index
        %get3A_383 = arith.constant 16 : index
        %get3A_384 = tpu.vector_load %arg8[%get3A_382, %get3A_383] {strides = array<i32>} : memref<50x128xf32, #tpu.memory_space<vmem>>, vector<1x16xf32>,
        %get3A_385 = vector.shape_cast %get3A_384 : vector<1x16xf32> to vector<16xf32>
        %mul3A_386 = vector.broadcast %squeeze3A : f32 to vector<16xf32>
        %mul3A_387 = arith.mulf %get3A_385, %mul3A_386 : vector<16xf32>
        %swap3A_388 = arith.index_cast %scan3A_370 : i32 to index
        %swap3A_389 = arith.constant 16 : index
        %swap3A_390 = tpu.vector_load %arg8[%swap3A_388, %swap3A_389] {strides = array<i32>} : memref<50x128xf32, #tpu.memory_space<vmem>>, vector<1x16xf32>,
        %swap3A_391 = vector.shape_cast %swap3A_390 : vector<1x16xf32> to vector<16xf32>
        %swap3A_392 = vector.shape_cast %mul3A_387 : vector<16xf32> to vector<1x16xf32>
        tpu.vector_store %arg8[%swap3A_388, %swap3A_389], %swap3A_392 {strides = array<i32>} : memref<50x128xf32, #tpu.memory_space<vmem>>, vector<1x16xf32>,
        %get3A_393 = arith.index_cast %scan3A_370 : i32 to index
        %get3A_394 = arith.constant 32 : index
        %get3A_395 = tpu.vector_load %arg8[%get3A_393, %get3A_394] {strides = array<i32>} : memref<50x128xf32, #tpu.memory_space<vmem>>, vector<1x16xf32>,
        %get3A_396 = vector.shape_cast %get3A_395 : vector<1x16xf32> to vector<16xf32>
        %mul3A_397 = vector.broadcast %squeeze3A : f32 to vector<16xf32>
        %mul3A_398 = arith.mulf %get3A_396, %mul3A_397 : vector<16xf32>
        %swap3A_399 = arith.index_cast %scan3A_370 : i32 to index
        %swap3A_400 = arith.constant 32 : index
        %swap3A_401 = tpu.vector_load %arg8[%swap3A_399, %swap3A_400] {strides = array<i32>} : memref<50x128xf32, #tpu.memory_space<vmem>>, vector<1x16xf32>,
        %swap3A_402 = vector.shape_cast %swap3A_401 : vector<1x16xf32> to vector<16xf32>
        %swap3A_403 = vector.shape_cast %mul3A_398 : vector<16xf32> to vector<1x16xf32>
        tpu.vector_store %arg8[%swap3A_399, %swap3A_400], %swap3A_403 {strides = array<i32>} : memref<50x128xf32, #tpu.memory_space<vmem>>, vector<1x16xf32>,
        %get3A_404 = arith.index_cast %scan3A_370 : i32 to index
        %get3A_405 = arith.constant 48 : index
        %get3A_406 = tpu.vector_load %arg8[%get3A_404, %get3A_405] {strides = array<i32>} : memref<50x128xf32, #tpu.memory_space<vmem>>, vector<1x16xf32>,
        %get3A_407 = vector.shape_cast %get3A_406 : vector<1x16xf32> to vector<16xf32>
        %mul3A_408 = vector.broadcast %squeeze3A : f32 to vector<16xf32>
        %mul3A_409 = arith.mulf %get3A_407, %mul3A_408 : vector<16xf32>
        %swap3A_410 = arith.index_cast %scan3A_370 : i32 to index
        %swap3A_411 = arith.constant 48 : index
        %swap3A_412 = tpu.vector_load %arg8[%swap3A_410, %swap3A_411] {strides = array<i32>} : memref<50x128xf32, #tpu.memory_space<vmem>>, vector<1x16xf32>,
        %swap3A_413 = vector.shape_cast %swap3A_412 : vector<1x16xf32> to vector<16xf32>
        %swap3A_414 = vector.shape_cast %mul3A_409 : vector<16xf32> to vector<1x16xf32>
        tpu.vector_store %arg8[%swap3A_410, %swap3A_411], %swap3A_414 {strides = array<i32>} : memref<50x128xf32, #tpu.memory_space<vmem>>, vector<1x16xf32>,
      }
      %scan3A_101 = arith.constant 50 : i32
      %add3A_102 = arith.addi %mul3A_6, %add3A_74 : i32
      %dma_start3A_103 = arith.constant 0 : i32
      %dma_start3A_104 = arith.constant 0 : i32
      %dma_start3A_105 = tpu.memref_slice %arg5[%add3A_102, %dma_start3A_103, %dma_start3A_104] : memref<4096x50x128xf32, #tpu.memory_space<hbm>> -> memref<1x50x128xf32, #tpu.memory_space<hbm>>
      %dma_start3A_106 = tpu.memref_squeeze %dma_start3A_105 : memref<1x50x128xf32, #tpu.memory_space<hbm>> -> memref<50x128xf32, #tpu.memory_space<hbm>>
      %dma_start3A_107 = arith.constant 0 : i32
      %dma_start3A_108 = arith.constant 0 : i32
      %dma_start3A_109 = tpu.memref_slice %arg5[%add3A_102, %dma_start3A_107, %dma_start3A_108] : memref<4096x50x128xf32, #tpu.memory_space<hbm>> -> memref<1x50x128xf32, #tpu.memory_space<hbm>>
      %dma_start3A_110 = tpu.memref_squeeze %dma_start3A_109 : memref<1x50x128xf32, #tpu.memory_space<hbm>> -> memref<50x128xf32, #tpu.memory_space<hbm>>
      tpu.enqueue_dma source(%arg8 : memref<50x128xf32, #tpu.memory_space<vmem>>) target(%dma_start3A_110 : memref<50x128xf32, #tpu.memory_space<hbm>>) target_semaphore(%arg16 : memref<!tpu.dma_semaphore, #tpu.memory_space<semaphore_mem>>)
      %add3A_111 = arith.constant 2 : i32
      %add3A_112 = arith.addi %add3A_39, %add3A_111 : i32
      %add3A_113 = arith.constant 2 : i32
      %add3A_114 = arith.addi %add3A_112, %add3A_113 : i32
      %sub3A_115 = arith.constant 4 : i32
      %sub3A_116 = arith.subi %add3A_114, %sub3A_115 : i32
      %ge3A_117 = arith.constant 0 : i32
      %ge3A_118 = arith.cmpi sge, %sub3A_116, %ge3A_117 : i32
      %convert_element_type3A_119 = arith.extui %ge3A_118 : i1 to i32
      %cond3A_120 = arith.constant 0 : i32
      %cond3A_121 = arith.cmpi ne, %convert_element_type3A_119, %cond3A_120 : i32
      scf.if %cond3A_121 {
        %dma_wait3A_187 = arith.constant 0 : i32
        %dma_wait3A_188 = arith.constant 0 : i32
        %dma_wait3A_189 = tpu.memref_slice %arg5[%mul3A_6, %dma_wait3A_187, %dma_wait3A_188] : memref<4096x50x128xf32, #tpu.memory_space<hbm>> -> memref<1x50x128xf32, #tpu.memory_space<hbm>>
        %dma_wait3A_190 = tpu.memref_squeeze %dma_wait3A_189 : memref<1x50x128xf32, #tpu.memory_space<hbm>> -> memref<50x128xf32, #tpu.memory_space<hbm>>
        %dma_wait3A_191 = arith.constant 0 : i32
        %dma_wait3A_192 = arith.constant 0 : i32
        %dma_wait3A_193 = tpu.memref_slice %arg5[%mul3A_6, %dma_wait3A_191, %dma_wait3A_192] : memref<4096x50x128xf32, #tpu.memory_space<hbm>> -> memref<1x50x128xf32, #tpu.memory_space<hbm>>
        %dma_wait3A_194 = tpu.memref_squeeze %dma_wait3A_193 : memref<1x50x128xf32, #tpu.memory_space<hbm>> -> memref<50x128xf32, #tpu.memory_space<hbm>>
        tpu.wait_dma2 semaphore(%arg15 : memref<!tpu.dma_semaphore, #tpu.memory_space<semaphore_mem>>) src(%arg7 : memref<50x128xf32, #tpu.memory_space<vmem>>) dst(%dma_wait3A_194 : memref<50x128xf32, #tpu.memory_space<hbm>>)
      } else {
      }
      %add3A_122 = arith.constant 2 : i32
      %add3A_123 = arith.addi %add3A_112, %add3A_122 : i32
      %lt3A_124 = arith.constant 128 : i32
      %lt3A_125 = arith.cmpi slt, %add3A_123, %lt3A_124 : i32
      %convert_element_type3A_126 = arith.extui %lt3A_125 : i1 to i32
      %cond3A_127 = arith.constant 0 : i32
      %cond3A_128 = arith.cmpi ne, %convert_element_type3A_126, %cond3A_127 : i32
      scf.if %cond3A_128 {
        %add3A_187 = arith.constant 2 : i32
        %add3A_188 = arith.addi %add3A_112, %add3A_187 : i32
        %mul3A_189 = arith.constant 56 : i32
        %mul3A_190 = arith.muli %add3A_188, %mul3A_189 : i32
        %dma_start3A_191 = tpu.memref_slice %arg6[%mul3A_190] : memref<7168xi32, #tpu.memory_space<vmem>> -> memref<50xi32, #tpu.memory_space<vmem>>
        %dma_start3A_192 = arith.constant 0 : i32
        %dma_start3A_193 = arith.constant 0 : i32
        %dma_start3A_194 = tpu.memref_slice %arg3[%dma_start3A_192, %dma_start3A_193] : memref<1000000x128xf32, #tpu.memory_space<hbm>> -> memref<1000000x128xf32, #tpu.memory_space<hbm>>
        tpu.enqueue_indirect_dma source(%dma_start3A_194 : memref<1000000x128xf32, #tpu.memory_space<hbm>>) target(%arg7 : memref<50x128xf32, #tpu.memory_space<vmem>>) offsets(%dma_start3A_191 : memref<50xi32, #tpu.memory_space<vmem>>) semaphore(%arg11 : memref<!tpu.dma_semaphore, #tpu.memory_space<semaphore_mem>>)
      } else {
      }
      %dma_wait3A_129 = arith.constant 0 : i32
      %dma_wait3A_130 = tpu.memref_slice %arg6[%dma_wait3A_129] : memref<7168xi32, #tpu.memory_space<vmem>> -> memref<50xi32, #tpu.memory_space<vmem>>
      %dma_wait3A_131 = arith.constant 0 : i32
      %dma_wait3A_132 = arith.constant 0 : i32
      %dma_wait3A_133 = tpu.memref_slice %arg3[%dma_wait3A_131, %dma_wait3A_132] : memref<1000000x128xf32, #tpu.memory_space<hbm>> -> memref<1000000x128xf32, #tpu.memory_space<hbm>>
      tpu.wait_indirect_dma semaphore(%arg13 : memref<!tpu.dma_semaphore, #tpu.memory_space<semaphore_mem>>) src(%dma_wait3A_133 : memref<1000000x128xf32, #tpu.memory_space<hbm>>) dst(%arg9 : memref<50x128xf32, #tpu.memory_space<vmem>>)
      %scan3A_134 = arith.constant 0 : i32
      %scan3A_135 = arith.constant 0 : i32
      %scan3A_136 = arith.constant 50 : i32
      %scan3A_137 = arith.addi %scan3A_135, %scan3A_136 : i32
      %scan3A_138 = arith.constant 5 : i32
      scf.for %scan3A_187 = %scan3A_135 to %scan3A_137 step %scan3A_138  : i32 {
        %get3A_188 = arith.index_cast %scan3A_187 : i32 to index
        %get3A_189 = arith.constant 0 : index
        %get3A_190 = tpu.vector_load %arg9[%get3A_188, %get3A_189] {strides = array<i32>} : memref<50x128xf32, #tpu.memory_space<vmem>>, vector<1x16xf32>,
        %get3A_191 = vector.shape_cast %get3A_190 : vector<1x16xf32> to vector<16xf32>
        %mul3A_192 = vector.broadcast %squeeze3A : f32 to vector<16xf32>
        %mul3A_193 = arith.mulf %get3A_191, %mul3A_192 : vector<16xf32>
        %swap3A = arith.index_cast %scan3A_187 : i32 to index
        %swap3A_194 = arith.constant 0 : index
        %swap3A_195 = tpu.vector_load %arg9[%swap3A, %swap3A_194] {strides = array<i32>} : memref<50x128xf32, #tpu.memory_space<vmem>>, vector<1x16xf32>,
        %swap3A_196 = vector.shape_cast %swap3A_195 : vector<1x16xf32> to vector<16xf32>
        %swap3A_197 = vector.shape_cast %mul3A_193 : vector<16xf32> to vector<1x16xf32>
        tpu.vector_store %arg9[%swap3A, %swap3A_194], %swap3A_197 {strides = array<i32>} : memref<50x128xf32, #tpu.memory_space<vmem>>, vector<1x16xf32>,
        %get3A_198 = arith.index_cast %scan3A_187 : i32 to index
        %get3A_199 = arith.constant 16 : index
        %get3A_200 = tpu.vector_load %arg9[%get3A_198, %get3A_199] {strides = array<i32>} : memref<50x128xf32, #tpu.memory_space<vmem>>, vector<1x16xf32>,
        %get3A_201 = vector.shape_cast %get3A_200 : vector<1x16xf32> to vector<16xf32>
        %mul3A_202 = vector.broadcast %squeeze3A : f32 to vector<16xf32>
        %mul3A_203 = arith.mulf %get3A_201, %mul3A_202 : vector<16xf32>
        %swap3A_204 = arith.index_cast %scan3A_187 : i32 to index
        %swap3A_205 = arith.constant 16 : index
        %swap3A_206 = tpu.vector_load %arg9[%swap3A_204, %swap3A_205] {strides = array<i32>} : memref<50x128xf32, #tpu.memory_space<vmem>>, vector<1x16xf32>,
        %swap3A_207 = vector.shape_cast %swap3A_206 : vector<1x16xf32> to vector<16xf32>
        %swap3A_208 = vector.shape_cast %mul3A_203 : vector<16xf32> to vector<1x16xf32>
        tpu.vector_store %arg9[%swap3A_204, %swap3A_205], %swap3A_208 {strides = array<i32>} : memref<50x128xf32, #tpu.memory_space<vmem>>, vector<1x16xf32>,
        %get3A_209 = arith.index_cast %scan3A_187 : i32 to index
        %get3A_210 = arith.constant 32 : index
        %get3A_211 = tpu.vector_load %arg9[%get3A_209, %get3A_210] {strides = array<i32>} : memref<50x128xf32, #tpu.memory_space<vmem>>, vector<1x16xf32>,
        %get3A_212 = vector.shape_cast %get3A_211 : vector<1x16xf32> to vector<16xf32>
        %mul3A_213 = vector.broadcast %squeeze3A : f32 to vector<16xf32>
        %mul3A_214 = arith.mulf %get3A_212, %mul3A_213 : vector<16xf32>
        %swap3A_215 = arith.index_cast %scan3A_187 : i32 to index
        %swap3A_216 = arith.constant 32 : index
        %swap3A_217 = tpu.vector_load %arg9[%swap3A_215, %swap3A_216] {strides = array<i32>} : memref<50x128xf32, #tpu.memory_space<vmem>>, vector<1x16xf32>,
        %swap3A_218 = vector.shape_cast %swap3A_217 : vector<1x16xf32> to vector<16xf32>
        %swap3A_219 = vector.shape_cast %mul3A_214 : vector<16xf32> to vector<1x16xf32>
        tpu.vector_store %arg9[%swap3A_215, %swap3A_216], %swap3A_219 {strides = array<i32>} : memref<50x128xf32, #tpu.memory_space<vmem>>, vector<1x16xf32>,
        %get3A_220 = arith.index_cast %scan3A_187 : i32 to index
        %get3A_221 = arith.constant 48 : index
        %get3A_222 = tpu.vector_load %arg9[%get3A_220, %get3A_221] {strides = array<i32>} : memref<50x128xf32, #tpu.memory_space<vmem>>, vector<1x16xf32>,
        %get3A_223 = vector.shape_cast %get3A_222 : vector<1x16xf32> to vector<16xf32>
        %mul3A_224 = vector.broadcast %squeeze3A : f32 to vector<16xf32>
        %mul3A_225 = arith.mulf %get3A_223, %mul3A_224 : vector<16xf32>
        %swap3A_226 = arith.index_cast %scan3A_187 : i32 to index
        %swap3A_227 = arith.constant 48 : index
        %swap3A_228 = tpu.vector_load %arg9[%swap3A_226, %swap3A_227] {strides = array<i32>} : memref<50x128xf32, #tpu.memory_space<vmem>>, vector<1x16xf32>,
        %swap3A_229 = vector.shape_cast %swap3A_228 : vector<1x16xf32> to vector<16xf32>
        %swap3A_230 = vector.shape_cast %mul3A_225 : vector<16xf32> to vector<1x16xf32>
        tpu.vector_store %arg9[%swap3A_226, %swap3A_227], %swap3A_230 {strides = array<i32>} : memref<50x128xf32, #tpu.memory_space<vmem>>, vector<1x16xf32>,
        %scan3A_231 = arith.constant 1 : i32
        %scan3A_232 = arith.addi %scan3A_187, %scan3A_231 : i32
        %get3A_233 = arith.index_cast %scan3A_232 : i32 to index
        %get3A_234 = arith.constant 0 : index
        %get3A_235 = tpu.vector_load %arg9[%get3A_233, %get3A_234] {strides = array<i32>} : memref<50x128xf32, #tpu.memory_space<vmem>>, vector<1x16xf32>,
        %get3A_236 = vector.shape_cast %get3A_235 : vector<1x16xf32> to vector<16xf32>
        %mul3A_237 = vector.broadcast %squeeze3A : f32 to vector<16xf32>
        %mul3A_238 = arith.mulf %get3A_236, %mul3A_237 : vector<16xf32>
        %swap3A_239 = arith.index_cast %scan3A_232 : i32 to index
        %swap3A_240 = arith.constant 0 : index
        %swap3A_241 = tpu.vector_load %arg9[%swap3A_239, %swap3A_240] {strides = array<i32>} : memref<50x128xf32, #tpu.memory_space<vmem>>, vector<1x16xf32>,
        %swap3A_242 = vector.shape_cast %swap3A_241 : vector<1x16xf32> to vector<16xf32>
        %swap3A_243 = vector.shape_cast %mul3A_238 : vector<16xf32> to vector<1x16xf32>
        tpu.vector_store %arg9[%swap3A_239, %swap3A_240], %swap3A_243 {strides = array<i32>} : memref<50x128xf32, #tpu.memory_space<vmem>>, vector<1x16xf32>,
        %get3A_244 = arith.index_cast %scan3A_232 : i32 to index
        %get3A_245 = arith.constant 16 : index
        %get3A_246 = tpu.vector_load %arg9[%get3A_244, %get3A_245] {strides = array<i32>} : memref<50x128xf32, #tpu.memory_space<vmem>>, vector<1x16xf32>,
        %get3A_247 = vector.shape_cast %get3A_246 : vector<1x16xf32> to vector<16xf32>
        %mul3A_248 = vector.broadcast %squeeze3A : f32 to vector<16xf32>
        %mul3A_249 = arith.mulf %get3A_247, %mul3A_248 : vector<16xf32>
        %swap3A_250 = arith.index_cast %scan3A_232 : i32 to index
        %swap3A_251 = arith.constant 16 : index
        %swap3A_252 = tpu.vector_load %arg9[%swap3A_250, %swap3A_251] {strides = array<i32>} : memref<50x128xf32, #tpu.memory_space<vmem>>, vector<1x16xf32>,
        %swap3A_253 = vector.shape_cast %swap3A_252 : vector<1x16xf32> to vector<16xf32>
        %swap3A_254 = vector.shape_cast %mul3A_249 : vector<16xf32> to vector<1x16xf32>
        tpu.vector_store %arg9[%swap3A_250, %swap3A_251], %swap3A_254 {strides = array<i32>} : memref<50x128xf32, #tpu.memory_space<vmem>>, vector<1x16xf32>,
        %get3A_255 = arith.index_cast %scan3A_232 : i32 to index
        %get3A_256 = arith.constant 32 : index
        %get3A_257 = tpu.vector_load %arg9[%get3A_255, %get3A_256] {strides = array<i32>} : memref<50x128xf32, #tpu.memory_space<vmem>>, vector<1x16xf32>,
        %get3A_258 = vector.shape_cast %get3A_257 : vector<1x16xf32> to vector<16xf32>
        %mul3A_259 = vector.broadcast %squeeze3A : f32 to vector<16xf32>
        %mul3A_260 = arith.mulf %get3A_258, %mul3A_259 : vector<16xf32>
        %swap3A_261 = arith.index_cast %scan3A_232 : i32 to index
        %swap3A_262 = arith.constant 32 : index
        %swap3A_263 = tpu.vector_load %arg9[%swap3A_261, %swap3A_262] {strides = array<i32>} : memref<50x128xf32, #tpu.memory_space<vmem>>, vector<1x16xf32>,
        %swap3A_264 = vector.shape_cast %swap3A_263 : vector<1x16xf32> to vector<16xf32>
        %swap3A_265 = vector.shape_cast %mul3A_260 : vector<16xf32> to vector<1x16xf32>
        tpu.vector_store %arg9[%swap3A_261, %swap3A_262], %swap3A_265 {strides = array<i32>} : memref<50x128xf32, #tpu.memory_space<vmem>>, vector<1x16xf32>,
        %get3A_266 = arith.index_cast %scan3A_232 : i32 to index
        %get3A_267 = arith.constant 48 : index
        %get3A_268 = tpu.vector_load %arg9[%get3A_266, %get3A_267] {strides = array<i32>} : memref<50x128xf32, #tpu.memory_space<vmem>>, vector<1x16xf32>,
        %get3A_269 = vector.shape_cast %get3A_268 : vector<1x16xf32> to vector<16xf32>
        %mul3A_270 = vector.broadcast %squeeze3A : f32 to vector<16xf32>
        %mul3A_271 = arith.mulf %get3A_269, %mul3A_270 : vector<16xf32>
        %swap3A_272 = arith.index_cast %scan3A_232 : i32 to index
        %swap3A_273 = arith.constant 48 : index
        %swap3A_274 = tpu.vector_load %arg9[%swap3A_272, %swap3A_273] {strides = array<i32>} : memref<50x128xf32, #tpu.memory_space<vmem>>, vector<1x16xf32>,
        %swap3A_275 = vector.shape_cast %swap3A_274 : vector<1x16xf32> to vector<16xf32>
        %swap3A_276 = vector.shape_cast %mul3A_271 : vector<16xf32> to vector<1x16xf32>
        tpu.vector_store %arg9[%swap3A_272, %swap3A_273], %swap3A_276 {strides = array<i32>} : memref<50x128xf32, #tpu.memory_space<vmem>>, vector<1x16xf32>,
        %scan3A_277 = arith.constant 2 : i32
        %scan3A_278 = arith.addi %scan3A_187, %scan3A_277 : i32
        %get3A_279 = arith.index_cast %scan3A_278 : i32 to index
        %get3A_280 = arith.constant 0 : index
        %get3A_281 = tpu.vector_load %arg9[%get3A_279, %get3A_280] {strides = array<i32>} : memref<50x128xf32, #tpu.memory_space<vmem>>, vector<1x16xf32>,
        %get3A_282 = vector.shape_cast %get3A_281 : vector<1x16xf32> to vector<16xf32>
        %mul3A_283 = vector.broadcast %squeeze3A : f32 to vector<16xf32>
        %mul3A_284 = arith.mulf %get3A_282, %mul3A_283 : vector<16xf32>
        %swap3A_285 = arith.index_cast %scan3A_278 : i32 to index
        %swap3A_286 = arith.constant 0 : index
        %swap3A_287 = tpu.vector_load %arg9[%swap3A_285, %swap3A_286] {strides = array<i32>} : memref<50x128xf32, #tpu.memory_space<vmem>>, vector<1x16xf32>,
        %swap3A_288 = vector.shape_cast %swap3A_287 : vector<1x16xf32> to vector<16xf32>
        %swap3A_289 = vector.shape_cast %mul3A_284 : vector<16xf32> to vector<1x16xf32>
        tpu.vector_store %arg9[%swap3A_285, %swap3A_286], %swap3A_289 {strides = array<i32>} : memref<50x128xf32, #tpu.memory_space<vmem>>, vector<1x16xf32>,
        %get3A_290 = arith.index_cast %scan3A_278 : i32 to index
        %get3A_291 = arith.constant 16 : index
        %get3A_292 = tpu.vector_load %arg9[%get3A_290, %get3A_291] {strides = array<i32>} : memref<50x128xf32, #tpu.memory_space<vmem>>, vector<1x16xf32>,
        %get3A_293 = vector.shape_cast %get3A_292 : vector<1x16xf32> to vector<16xf32>
        %mul3A_294 = vector.broadcast %squeeze3A : f32 to vector<16xf32>
        %mul3A_295 = arith.mulf %get3A_293, %mul3A_294 : vector<16xf32>
        %swap3A_296 = arith.index_cast %scan3A_278 : i32 to index
        %swap3A_297 = arith.constant 16 : index
        %swap3A_298 = tpu.vector_load %arg9[%swap3A_296, %swap3A_297] {strides = array<i32>} : memref<50x128xf32, #tpu.memory_space<vmem>>, vector<1x16xf32>,
        %swap3A_299 = vector.shape_cast %swap3A_298 : vector<1x16xf32> to vector<16xf32>
        %swap3A_300 = vector.shape_cast %mul3A_295 : vector<16xf32> to vector<1x16xf32>
        tpu.vector_store %arg9[%swap3A_296, %swap3A_297], %swap3A_300 {strides = array<i32>} : memref<50x128xf32, #tpu.memory_space<vmem>>, vector<1x16xf32>,
        %get3A_301 = arith.index_cast %scan3A_278 : i32 to index
        %get3A_302 = arith.constant 32 : index
        %get3A_303 = tpu.vector_load %arg9[%get3A_301, %get3A_302] {strides = array<i32>} : memref<50x128xf32, #tpu.memory_space<vmem>>, vector<1x16xf32>,
        %get3A_304 = vector.shape_cast %get3A_303 : vector<1x16xf32> to vector<16xf32>
        %mul3A_305 = vector.broadcast %squeeze3A : f32 to vector<16xf32>
        %mul3A_306 = arith.mulf %get3A_304, %mul3A_305 : vector<16xf32>
        %swap3A_307 = arith.index_cast %scan3A_278 : i32 to index
        %swap3A_308 = arith.constant 32 : index
        %swap3A_309 = tpu.vector_load %arg9[%swap3A_307, %swap3A_308] {strides = array<i32>} : memref<50x128xf32, #tpu.memory_space<vmem>>, vector<1x16xf32>,
        %swap3A_310 = vector.shape_cast %swap3A_309 : vector<1x16xf32> to vector<16xf32>
        %swap3A_311 = vector.shape_cast %mul3A_306 : vector<16xf32> to vector<1x16xf32>
        tpu.vector_store %arg9[%swap3A_307, %swap3A_308], %swap3A_311 {strides = array<i32>} : memref<50x128xf32, #tpu.memory_space<vmem>>, vector<1x16xf32>,
        %get3A_312 = arith.index_cast %scan3A_278 : i32 to index
        %get3A_313 = arith.constant 48 : index
        %get3A_314 = tpu.vector_load %arg9[%get3A_312, %get3A_313] {strides = array<i32>} : memref<50x128xf32, #tpu.memory_space<vmem>>, vector<1x16xf32>,
        %get3A_315 = vector.shape_cast %get3A_314 : vector<1x16xf32> to vector<16xf32>
        %mul3A_316 = vector.broadcast %squeeze3A : f32 to vector<16xf32>
        %mul3A_317 = arith.mulf %get3A_315, %mul3A_316 : vector<16xf32>
        %swap3A_318 = arith.index_cast %scan3A_278 : i32 to index
        %swap3A_319 = arith.constant 48 : index
        %swap3A_320 = tpu.vector_load %arg9[%swap3A_318, %swap3A_319] {strides = array<i32>} : memref<50x128xf32, #tpu.memory_space<vmem>>, vector<1x16xf32>,
        %swap3A_321 = vector.shape_cast %swap3A_320 : vector<1x16xf32> to vector<16xf32>
        %swap3A_322 = vector.shape_cast %mul3A_317 : vector<16xf32> to vector<1x16xf32>
        tpu.vector_store %arg9[%swap3A_318, %swap3A_319], %swap3A_322 {strides = array<i32>} : memref<50x128xf32, #tpu.memory_space<vmem>>, vector<1x16xf32>,
        %scan3A_323 = arith.constant 3 : i32
        %scan3A_324 = arith.addi %scan3A_187, %scan3A_323 : i32
        %get3A_325 = arith.index_cast %scan3A_324 : i32 to index
        %get3A_326 = arith.constant 0 : index
        %get3A_327 = tpu.vector_load %arg9[%get3A_325, %get3A_326] {strides = array<i32>} : memref<50x128xf32, #tpu.memory_space<vmem>>, vector<1x16xf32>,
        %get3A_328 = vector.shape_cast %get3A_327 : vector<1x16xf32> to vector<16xf32>
        %mul3A_329 = vector.broadcast %squeeze3A : f32 to vector<16xf32>
        %mul3A_330 = arith.mulf %get3A_328, %mul3A_329 : vector<16xf32>
        %swap3A_331 = arith.index_cast %scan3A_324 : i32 to index
        %swap3A_332 = arith.constant 0 : index
        %swap3A_333 = tpu.vector_load %arg9[%swap3A_331, %swap3A_332] {strides = array<i32>} : memref<50x128xf32, #tpu.memory_space<vmem>>, vector<1x16xf32>,
        %swap3A_334 = vector.shape_cast %swap3A_333 : vector<1x16xf32> to vector<16xf32>
        %swap3A_335 = vector.shape_cast %mul3A_330 : vector<16xf32> to vector<1x16xf32>
        tpu.vector_store %arg9[%swap3A_331, %swap3A_332], %swap3A_335 {strides = array<i32>} : memref<50x128xf32, #tpu.memory_space<vmem>>, vector<1x16xf32>,
        %get3A_336 = arith.index_cast %scan3A_324 : i32 to index
        %get3A_337 = arith.constant 16 : index
        %get3A_338 = tpu.vector_load %arg9[%get3A_336, %get3A_337] {strides = array<i32>} : memref<50x128xf32, #tpu.memory_space<vmem>>, vector<1x16xf32>,
        %get3A_339 = vector.shape_cast %get3A_338 : vector<1x16xf32> to vector<16xf32>
        %mul3A_340 = vector.broadcast %squeeze3A : f32 to vector<16xf32>
        %mul3A_341 = arith.mulf %get3A_339, %mul3A_340 : vector<16xf32>
        %swap3A_342 = arith.index_cast %scan3A_324 : i32 to index
        %swap3A_343 = arith.constant 16 : index
        %swap3A_344 = tpu.vector_load %arg9[%swap3A_342, %swap3A_343] {strides = array<i32>} : memref<50x128xf32, #tpu.memory_space<vmem>>, vector<1x16xf32>,
        %swap3A_345 = vector.shape_cast %swap3A_344 : vector<1x16xf32> to vector<16xf32>
        %swap3A_346 = vector.shape_cast %mul3A_341 : vector<16xf32> to vector<1x16xf32>
        tpu.vector_store %arg9[%swap3A_342, %swap3A_343], %swap3A_346 {strides = array<i32>} : memref<50x128xf32, #tpu.memory_space<vmem>>, vector<1x16xf32>,
        %get3A_347 = arith.index_cast %scan3A_324 : i32 to index
        %get3A_348 = arith.constant 32 : index
        %get3A_349 = tpu.vector_load %arg9[%get3A_347, %get3A_348] {strides = array<i32>} : memref<50x128xf32, #tpu.memory_space<vmem>>, vector<1x16xf32>,
        %get3A_350 = vector.shape_cast %get3A_349 : vector<1x16xf32> to vector<16xf32>
        %mul3A_351 = vector.broadcast %squeeze3A : f32 to vector<16xf32>
        %mul3A_352 = arith.mulf %get3A_350, %mul3A_351 : vector<16xf32>
        %swap3A_353 = arith.index_cast %scan3A_324 : i32 to index
        %swap3A_354 = arith.constant 32 : index
        %swap3A_355 = tpu.vector_load %arg9[%swap3A_353, %swap3A_354] {strides = array<i32>} : memref<50x128xf32, #tpu.memory_space<vmem>>, vector<1x16xf32>,
        %swap3A_356 = vector.shape_cast %swap3A_355 : vector<1x16xf32> to vector<16xf32>
        %swap3A_357 = vector.shape_cast %mul3A_352 : vector<16xf32> to vector<1x16xf32>
        tpu.vector_store %arg9[%swap3A_353, %swap3A_354], %swap3A_357 {strides = array<i32>} : memref<50x128xf32, #tpu.memory_space<vmem>>, vector<1x16xf32>,
        %get3A_358 = arith.index_cast %scan3A_324 : i32 to index
        %get3A_359 = arith.constant 48 : index
        %get3A_360 = tpu.vector_load %arg9[%get3A_358, %get3A_359] {strides = array<i32>} : memref<50x128xf32, #tpu.memory_space<vmem>>, vector<1x16xf32>,
        %get3A_361 = vector.shape_cast %get3A_360 : vector<1x16xf32> to vector<16xf32>
        %mul3A_362 = vector.broadcast %squeeze3A : f32 to vector<16xf32>
        %mul3A_363 = arith.mulf %get3A_361, %mul3A_362 : vector<16xf32>
        %swap3A_364 = arith.index_cast %scan3A_324 : i32 to index
        %swap3A_365 = arith.constant 48 : index
        %swap3A_366 = tpu.vector_load %arg9[%swap3A_364, %swap3A_365] {strides = array<i32>} : memref<50x128xf32, #tpu.memory_space<vmem>>, vector<1x16xf32>,
        %swap3A_367 = vector.shape_cast %swap3A_366 : vector<1x16xf32> to vector<16xf32>
        %swap3A_368 = vector.shape_cast %mul3A_363 : vector<16xf32> to vector<1x16xf32>
        tpu.vector_store %arg9[%swap3A_364, %swap3A_365], %swap3A_368 {strides = array<i32>} : memref<50x128xf32, #tpu.memory_space<vmem>>, vector<1x16xf32>,
        %scan3A_369 = arith.constant 4 : i32
        %scan3A_370 = arith.addi %scan3A_187, %scan3A_369 : i32
        %get3A_371 = arith.index_cast %scan3A_370 : i32 to index
        %get3A_372 = arith.constant 0 : index
        %get3A_373 = tpu.vector_load %arg9[%get3A_371, %get3A_372] {strides = array<i32>} : memref<50x128xf32, #tpu.memory_space<vmem>>, vector<1x16xf32>,
        %get3A_374 = vector.shape_cast %get3A_373 : vector<1x16xf32> to vector<16xf32>
        %mul3A_375 = vector.broadcast %squeeze3A : f32 to vector<16xf32>
        %mul3A_376 = arith.mulf %get3A_374, %mul3A_375 : vector<16xf32>
        %swap3A_377 = arith.index_cast %scan3A_370 : i32 to index
        %swap3A_378 = arith.constant 0 : index
        %swap3A_379 = tpu.vector_load %arg9[%swap3A_377, %swap3A_378] {strides = array<i32>} : memref<50x128xf32, #tpu.memory_space<vmem>>, vector<1x16xf32>,
        %swap3A_380 = vector.shape_cast %swap3A_379 : vector<1x16xf32> to vector<16xf32>
        %swap3A_381 = vector.shape_cast %mul3A_376 : vector<16xf32> to vector<1x16xf32>
        tpu.vector_store %arg9[%swap3A_377, %swap3A_378], %swap3A_381 {strides = array<i32>} : memref<50x128xf32, #tpu.memory_space<vmem>>, vector<1x16xf32>,
        %get3A_382 = arith.index_cast %scan3A_370 : i32 to index
        %get3A_383 = arith.constant 16 : index
        %get3A_384 = tpu.vector_load %arg9[%get3A_382, %get3A_383] {strides = array<i32>} : memref<50x128xf32, #tpu.memory_space<vmem>>, vector<1x16xf32>,
        %get3A_385 = vector.shape_cast %get3A_384 : vector<1x16xf32> to vector<16xf32>
        %mul3A_386 = vector.broadcast %squeeze3A : f32 to vector<16xf32>
        %mul3A_387 = arith.mulf %get3A_385, %mul3A_386 : vector<16xf32>
        %swap3A_388 = arith.index_cast %scan3A_370 : i32 to index
        %swap3A_389 = arith.constant 16 : index
        %swap3A_390 = tpu.vector_load %arg9[%swap3A_388, %swap3A_389] {strides = array<i32>} : memref<50x128xf32, #tpu.memory_space<vmem>>, vector<1x16xf32>,
        %swap3A_391 = vector.shape_cast %swap3A_390 : vector<1x16xf32> to vector<16xf32>
        %swap3A_392 = vector.shape_cast %mul3A_387 : vector<16xf32> to vector<1x16xf32>
        tpu.vector_store %arg9[%swap3A_388, %swap3A_389], %swap3A_392 {strides = array<i32>} : memref<50x128xf32, #tpu.memory_space<vmem>>, vector<1x16xf32>,
        %get3A_393 = arith.index_cast %scan3A_370 : i32 to index
        %get3A_394 = arith.constant 32 : index
        %get3A_395 = tpu.vector_load %arg9[%get3A_393, %get3A_394] {strides = array<i32>} : memref<50x128xf32, #tpu.memory_space<vmem>>, vector<1x16xf32>,
        %get3A_396 = vector.shape_cast %get3A_395 : vector<1x16xf32> to vector<16xf32>
        %mul3A_397 = vector.broadcast %squeeze3A : f32 to vector<16xf32>
        %mul3A_398 = arith.mulf %get3A_396, %mul3A_397 : vector<16xf32>
        %swap3A_399 = arith.index_cast %scan3A_370 : i32 to index
        %swap3A_400 = arith.constant 32 : index
        %swap3A_401 = tpu.vector_load %arg9[%swap3A_399, %swap3A_400] {strides = array<i32>} : memref<50x128xf32, #tpu.memory_space<vmem>>, vector<1x16xf32>,
        %swap3A_402 = vector.shape_cast %swap3A_401 : vector<1x16xf32> to vector<16xf32>
        %swap3A_403 = vector.shape_cast %mul3A_398 : vector<16xf32> to vector<1x16xf32>
        tpu.vector_store %arg9[%swap3A_399, %swap3A_400], %swap3A_403 {strides = array<i32>} : memref<50x128xf32, #tpu.memory_space<vmem>>, vector<1x16xf32>,
        %get3A_404 = arith.index_cast %scan3A_370 : i32 to index
        %get3A_405 = arith.constant 48 : index
        %get3A_406 = tpu.vector_load %arg9[%get3A_404, %get3A_405] {strides = array<i32>} : memref<50x128xf32, #tpu.memory_space<vmem>>, vector<1x16xf32>,
        %get3A_407 = vector.shape_cast %get3A_406 : vector<1x16xf32> to vector<16xf32>
        %mul3A_408 = vector.broadcast %squeeze3A : f32 to vector<16xf32>
        %mul3A_409 = arith.mulf %get3A_407, %mul3A_408 : vector<16xf32>
        %swap3A_410 = arith.index_cast %scan3A_370 : i32 to index
        %swap3A_411 = arith.constant 48 : index
        %swap3A_412 = tpu.vector_load %arg9[%swap3A_410, %swap3A_411] {strides = array<i32>} : memref<50x128xf32, #tpu.memory_space<vmem>>, vector<1x16xf32>,
        %swap3A_413 = vector.shape_cast %swap3A_412 : vector<1x16xf32> to vector<16xf32>
        %swap3A_414 = vector.shape_cast %mul3A_409 : vector<16xf32> to vector<1x16xf32>
        tpu.vector_store %arg9[%swap3A_410, %swap3A_411], %swap3A_414 {strides = array<i32>} : memref<50x128xf32, #tpu.memory_space<vmem>>, vector<1x16xf32>,
      }
      %scan3A_139 = arith.constant 50 : i32
      %add3A_140 = arith.addi %mul3A_6, %add3A_112 : i32
      %dma_start3A_141 = arith.constant 0 : i32
      %dma_start3A_142 = arith.constant 0 : i32
      %dma_start3A_143 = tpu.memref_slice %arg5[%add3A_140, %dma_start3A_141, %dma_start3A_142] : memref<4096x50x128xf32, #tpu.memory_space<hbm>> -> memref<1x50x128xf32, #tpu.memory_space<hbm>>
      %dma_start3A_144 = tpu.memref_squeeze %dma_start3A_143 : memref<1x50x128xf32, #tpu.memory_space<hbm>> -> memref<50x128xf32, #tpu.memory_space<hbm>>
      %dma_start3A_145 = arith.constant 0 : i32
      %dma_start3A_146 = arith.constant 0 : i32
      %dma_start3A_147 = tpu.memref_slice %arg5[%add3A_140, %dma_start3A_145, %dma_start3A_146] : memref<4096x50x128xf32, #tpu.memory_space<hbm>> -> memref<1x50x128xf32, #tpu.memory_space<hbm>>
      %dma_start3A_148 = tpu.memref_squeeze %dma_start3A_147 : memref<1x50x128xf32, #tpu.memory_space<hbm>> -> memref<50x128xf32, #tpu.memory_space<hbm>>
      tpu.enqueue_dma source(%arg9 : memref<50x128xf32, #tpu.memory_space<vmem>>) target(%dma_start3A_148 : memref<50x128xf32, #tpu.memory_space<hbm>>) target_semaphore(%arg17 : memref<!tpu.dma_semaphore, #tpu.memory_space<semaphore_mem>>)
      %add3A_149 = arith.constant 3 : i32
      %add3A_150 = arith.addi %add3A_39, %add3A_149 : i32
      %add3A_151 = arith.constant 2 : i32
      %add3A_152 = arith.addi %add3A_150, %add3A_151 : i32
      %sub3A_153 = arith.constant 4 : i32
      %sub3A_154 = arith.subi %add3A_152, %sub3A_153 : i32
      %ge3A_155 = arith.constant 0 : i32
      %ge3A_156 = arith.cmpi sge, %sub3A_154, %ge3A_155 : i32
      %convert_element_type3A_157 = arith.extui %ge3A_156 : i1 to i32
      %cond3A_158 = arith.constant 0 : i32
      %cond3A_159 = arith.cmpi ne, %convert_element_type3A_157, %cond3A_158 : i32
      scf.if %cond3A_159 {
        %dma_wait3A_187 = arith.constant 0 : i32
        %dma_wait3A_188 = arith.constant 0 : i32
        %dma_wait3A_189 = tpu.memref_slice %arg5[%mul3A_6, %dma_wait3A_187, %dma_wait3A_188] : memref<4096x50x128xf32, #tpu.memory_space<hbm>> -> memref<1x50x128xf32, #tpu.memory_space<hbm>>
        %dma_wait3A_190 = tpu.memref_squeeze %dma_wait3A_189 : memref<1x50x128xf32, #tpu.memory_space<hbm>> -> memref<50x128xf32, #tpu.memory_space<hbm>>
        %dma_wait3A_191 = arith.constant 0 : i32
        %dma_wait3A_192 = arith.constant 0 : i32
        %dma_wait3A_193 = tpu.memref_slice %arg5[%mul3A_6, %dma_wait3A_191, %dma_wait3A_192] : memref<4096x50x128xf32, #tpu.memory_space<hbm>> -> memref<1x50x128xf32, #tpu.memory_space<hbm>>
        %dma_wait3A_194 = tpu.memref_squeeze %dma_wait3A_193 : memref<1x50x128xf32, #tpu.memory_space<hbm>> -> memref<50x128xf32, #tpu.memory_space<hbm>>
        tpu.wait_dma2 semaphore(%arg16 : memref<!tpu.dma_semaphore, #tpu.memory_space<semaphore_mem>>) src(%arg8 : memref<50x128xf32, #tpu.memory_space<vmem>>) dst(%dma_wait3A_194 : memref<50x128xf32, #tpu.memory_space<hbm>>)
      } else {
      }
      %add3A_160 = arith.constant 2 : i32
      %add3A_161 = arith.addi %add3A_150, %add3A_160 : i32
      %lt3A_162 = arith.constant 128 : i32
      %lt3A_163 = arith.cmpi slt, %add3A_161, %lt3A_162 : i32
      %convert_element_type3A_164 = arith.extui %lt3A_163 : i1 to i32
      %cond3A_165 = arith.constant 0 : i32
      %cond3A_166 = arith.cmpi ne, %convert_element_type3A_164, %cond3A_165 : i32
      scf.if %cond3A_166 {
        %add3A_187 = arith.constant 2 : i32
        %add3A_188 = arith.addi %add3A_150, %add3A_187 : i32
        %mul3A_189 = arith.constant 56 : i32
        %mul3A_190 = arith.muli %add3A_188, %mul3A_189 : i32
        %dma_start3A_191 = tpu.memref_slice %arg6[%mul3A_190] : memref<7168xi32, #tpu.memory_space<vmem>> -> memref<50xi32, #tpu.memory_space<vmem>>
        %dma_start3A_192 = arith.constant 0 : i32
        %dma_start3A_193 = arith.constant 0 : i32
        %dma_start3A_194 = tpu.memref_slice %arg3[%dma_start3A_192, %dma_start3A_193] : memref<1000000x128xf32, #tpu.memory_space<hbm>> -> memref<1000000x128xf32, #tpu.memory_space<hbm>>
        tpu.enqueue_indirect_dma source(%dma_start3A_194 : memref<1000000x128xf32, #tpu.memory_space<hbm>>) target(%arg8 : memref<50x128xf32, #tpu.memory_space<vmem>>) offsets(%dma_start3A_191 : memref<50xi32, #tpu.memory_space<vmem>>) semaphore(%arg12 : memref<!tpu.dma_semaphore, #tpu.memory_space<semaphore_mem>>)
      } else {
      }
      %dma_wait3A_167 = arith.constant 0 : i32
      %dma_wait3A_168 = tpu.memref_slice %arg6[%dma_wait3A_167] : memref<7168xi32, #tpu.memory_space<vmem>> -> memref<50xi32, #tpu.memory_space<vmem>>
      %dma_wait3A_169 = arith.constant 0 : i32
      %dma_wait3A_170 = arith.constant 0 : i32
      %dma_wait3A_171 = tpu.memref_slice %arg3[%dma_wait3A_169, %dma_wait3A_170] : memref<1000000x128xf32, #tpu.memory_space<hbm>> -> memref<1000000x128xf32, #tpu.memory_space<hbm>>
      tpu.wait_indirect_dma semaphore(%arg14 : memref<!tpu.dma_semaphore, #tpu.memory_space<semaphore_mem>>) src(%dma_wait3A_171 : memref<1000000x128xf32, #tpu.memory_space<hbm>>) dst(%arg10 : memref<50x128xf32, #tpu.memory_space<vmem>>)
      %scan3A_172 = arith.constant 0 : i32
      %scan3A_173 = arith.constant 0 : i32
      %scan3A_174 = arith.constant 50 : i32
      %scan3A_175 = arith.addi %scan3A_173, %scan3A_174 : i32
      %scan3A_176 = arith.constant 5 : i32
      scf.for %scan3A_187 = %scan3A_173 to %scan3A_175 step %scan3A_176  : i32 {
        %get3A_188 = arith.index_cast %scan3A_187 : i32 to index
        %get3A_189 = arith.constant 0 : index
        %get3A_190 = tpu.vector_load %arg10[%get3A_188, %get3A_189] {strides = array<i32>} : memref<50x128xf32, #tpu.memory_space<vmem>>, vector<1x16xf32>,
        %get3A_191 = vector.shape_cast %get3A_190 : vector<1x16xf32> to vector<16xf32>
        %mul3A_192 = vector.broadcast %squeeze3A : f32 to vector<16xf32>
        %mul3A_193 = arith.mulf %get3A_191, %mul3A_192 : vector<16xf32>
        %swap3A = arith.index_cast %scan3A_187 : i32 to index
        %swap3A_194 = arith.constant 0 : index
        %swap3A_195 = tpu.vector_load %arg10[%swap3A, %swap3A_194] {strides = array<i32>} : memref<50x128xf32, #tpu.memory_space<vmem>>, vector<1x16xf32>,
        %swap3A_196 = vector.shape_cast %swap3A_195 : vector<1x16xf32> to vector<16xf32>
        %swap3A_197 = vector.shape_cast %mul3A_193 : vector<16xf32> to vector<1x16xf32>
        tpu.vector_store %arg10[%swap3A, %swap3A_194], %swap3A_197 {strides = array<i32>} : memref<50x128xf32, #tpu.memory_space<vmem>>, vector<1x16xf32>,
        %get3A_198 = arith.index_cast %scan3A_187 : i32 to index
        %get3A_199 = arith.constant 16 : index
        %get3A_200 = tpu.vector_load %arg10[%get3A_198, %get3A_199] {strides = array<i32>} : memref<50x128xf32, #tpu.memory_space<vmem>>, vector<1x16xf32>,
        %get3A_201 = vector.shape_cast %get3A_200 : vector<1x16xf32> to vector<16xf32>
        %mul3A_202 = vector.broadcast %squeeze3A : f32 to vector<16xf32>
        %mul3A_203 = arith.mulf %get3A_201, %mul3A_202 : vector<16xf32>
        %swap3A_204 = arith.index_cast %scan3A_187 : i32 to index
        %swap3A_205 = arith.constant 16 : index
        %swap3A_206 = tpu.vector_load %arg10[%swap3A_204, %swap3A_205] {strides = array<i32>} : memref<50x128xf32, #tpu.memory_space<vmem>>, vector<1x16xf32>,
        %swap3A_207 = vector.shape_cast %swap3A_206 : vector<1x16xf32> to vector<16xf32>
        %swap3A_208 = vector.shape_cast %mul3A_203 : vector<16xf32> to vector<1x16xf32>
        tpu.vector_store %arg10[%swap3A_204, %swap3A_205], %swap3A_208 {strides = array<i32>} : memref<50x128xf32, #tpu.memory_space<vmem>>, vector<1x16xf32>,
        %get3A_209 = arith.index_cast %scan3A_187 : i32 to index
        %get3A_210 = arith.constant 32 : index
        %get3A_211 = tpu.vector_load %arg10[%get3A_209, %get3A_210] {strides = array<i32>} : memref<50x128xf32, #tpu.memory_space<vmem>>, vector<1x16xf32>,
        %get3A_212 = vector.shape_cast %get3A_211 : vector<1x16xf32> to vector<16xf32>
        %mul3A_213 = vector.broadcast %squeeze3A : f32 to vector<16xf32>
        %mul3A_214 = arith.mulf %get3A_212, %mul3A_213 : vector<16xf32>
        %swap3A_215 = arith.index_cast %scan3A_187 : i32 to index
        %swap3A_216 = arith.constant 32 : index
        %swap3A_217 = tpu.vector_load %arg10[%swap3A_215, %swap3A_216] {strides = array<i32>} : memref<50x128xf32, #tpu.memory_space<vmem>>, vector<1x16xf32>,
        %swap3A_218 = vector.shape_cast %swap3A_217 : vector<1x16xf32> to vector<16xf32>
        %swap3A_219 = vector.shape_cast %mul3A_214 : vector<16xf32> to vector<1x16xf32>
        tpu.vector_store %arg10[%swap3A_215, %swap3A_216], %swap3A_219 {strides = array<i32>} : memref<50x128xf32, #tpu.memory_space<vmem>>, vector<1x16xf32>,
        %get3A_220 = arith.index_cast %scan3A_187 : i32 to index
        %get3A_221 = arith.constant 48 : index
        %get3A_222 = tpu.vector_load %arg10[%get3A_220, %get3A_221] {strides = array<i32>} : memref<50x128xf32, #tpu.memory_space<vmem>>, vector<1x16xf32>,
        %get3A_223 = vector.shape_cast %get3A_222 : vector<1x16xf32> to vector<16xf32>
        %mul3A_224 = vector.broadcast %squeeze3A : f32 to vector<16xf32>
        %mul3A_225 = arith.mulf %get3A_223, %mul3A_224 : vector<16xf32>
        %swap3A_226 = arith.index_cast %scan3A_187 : i32 to index
        %swap3A_227 = arith.constant 48 : index
        %swap3A_228 = tpu.vector_load %arg10[%swap3A_226, %swap3A_227] {strides = array<i32>} : memref<50x128xf32, #tpu.memory_space<vmem>>, vector<1x16xf32>,
        %swap3A_229 = vector.shape_cast %swap3A_228 : vector<1x16xf32> to vector<16xf32>
        %swap3A_230 = vector.shape_cast %mul3A_225 : vector<16xf32> to vector<1x16xf32>
        tpu.vector_store %arg10[%swap3A_226, %swap3A_227], %swap3A_230 {strides = array<i32>} : memref<50x128xf32, #tpu.memory_space<vmem>>, vector<1x16xf32>,
        %scan3A_231 = arith.constant 1 : i32
        %scan3A_232 = arith.addi %scan3A_187, %scan3A_231 : i32
        %get3A_233 = arith.index_cast %scan3A_232 : i32 to index
        %get3A_234 = arith.constant 0 : index
        %get3A_235 = tpu.vector_load %arg10[%get3A_233, %get3A_234] {strides = array<i32>} : memref<50x128xf32, #tpu.memory_space<vmem>>, vector<1x16xf32>,
        %get3A_236 = vector.shape_cast %get3A_235 : vector<1x16xf32> to vector<16xf32>
        %mul3A_237 = vector.broadcast %squeeze3A : f32 to vector<16xf32>
        %mul3A_238 = arith.mulf %get3A_236, %mul3A_237 : vector<16xf32>
        %swap3A_239 = arith.index_cast %scan3A_232 : i32 to index
        %swap3A_240 = arith.constant 0 : index
        %swap3A_241 = tpu.vector_load %arg10[%swap3A_239, %swap3A_240] {strides = array<i32>} : memref<50x128xf32, #tpu.memory_space<vmem>>, vector<1x16xf32>,
        %swap3A_242 = vector.shape_cast %swap3A_241 : vector<1x16xf32> to vector<16xf32>
        %swap3A_243 = vector.shape_cast %mul3A_238 : vector<16xf32> to vector<1x16xf32>
        tpu.vector_store %arg10[%swap3A_239, %swap3A_240], %swap3A_243 {strides = array<i32>} : memref<50x128xf32, #tpu.memory_space<vmem>>, vector<1x16xf32>,
        %get3A_244 = arith.index_cast %scan3A_232 : i32 to index
        %get3A_245 = arith.constant 16 : index
        %get3A_246 = tpu.vector_load %arg10[%get3A_244, %get3A_245] {strides = array<i32>} : memref<50x128xf32, #tpu.memory_space<vmem>>, vector<1x16xf32>,
        %get3A_247 = vector.shape_cast %get3A_246 : vector<1x16xf32> to vector<16xf32>
        %mul3A_248 = vector.broadcast %squeeze3A : f32 to vector<16xf32>
        %mul3A_249 = arith.mulf %get3A_247, %mul3A_248 : vector<16xf32>
        %swap3A_250 = arith.index_cast %scan3A_232 : i32 to index
        %swap3A_251 = arith.constant 16 : index
        %swap3A_252 = tpu.vector_load %arg10[%swap3A_250, %swap3A_251] {strides = array<i32>} : memref<50x128xf32, #tpu.memory_space<vmem>>, vector<1x16xf32>,
        %swap3A_253 = vector.shape_cast %swap3A_252 : vector<1x16xf32> to vector<16xf32>
        %swap3A_254 = vector.shape_cast %mul3A_249 : vector<16xf32> to vector<1x16xf32>
        tpu.vector_store %arg10[%swap3A_250, %swap3A_251], %swap3A_254 {strides = array<i32>} : memref<50x128xf32, #tpu.memory_space<vmem>>, vector<1x16xf32>,
        %get3A_255 = arith.index_cast %scan3A_232 : i32 to index
        %get3A_256 = arith.constant 32 : index
        %get3A_257 = tpu.vector_load %arg10[%get3A_255, %get3A_256] {strides = array<i32>} : memref<50x128xf32, #tpu.memory_space<vmem>>, vector<1x16xf32>,
        %get3A_258 = vector.shape_cast %get3A_257 : vector<1x16xf32> to vector<16xf32>
        %mul3A_259 = vector.broadcast %squeeze3A : f32 to vector<16xf32>
        %mul3A_260 = arith.mulf %get3A_258, %mul3A_259 : vector<16xf32>
        %swap3A_261 = arith.index_cast %scan3A_232 : i32 to index
        %swap3A_262 = arith.constant 32 : index
        %swap3A_263 = tpu.vector_load %arg10[%swap3A_261, %swap3A_262] {strides = array<i32>} : memref<50x128xf32, #tpu.memory_space<vmem>>, vector<1x16xf32>,
        %swap3A_264 = vector.shape_cast %swap3A_263 : vector<1x16xf32> to vector<16xf32>
        %swap3A_265 = vector.shape_cast %mul3A_260 : vector<16xf32> to vector<1x16xf32>
        tpu.vector_store %arg10[%swap3A_261, %swap3A_262], %swap3A_265 {strides = array<i32>} : memref<50x128xf32, #tpu.memory_space<vmem>>, vector<1x16xf32>,
        %get3A_266 = arith.index_cast %scan3A_232 : i32 to index
        %get3A_267 = arith.constant 48 : index
        %get3A_268 = tpu.vector_load %arg10[%get3A_266, %get3A_267] {strides = array<i32>} : memref<50x128xf32, #tpu.memory_space<vmem>>, vector<1x16xf32>,
        %get3A_269 = vector.shape_cast %get3A_268 : vector<1x16xf32> to vector<16xf32>
        %mul3A_270 = vector.broadcast %squeeze3A : f32 to vector<16xf32>
        %mul3A_271 = arith.mulf %get3A_269, %mul3A_270 : vector<16xf32>
        %swap3A_272 = arith.index_cast %scan3A_232 : i32 to index
        %swap3A_273 = arith.constant 48 : index
        %swap3A_274 = tpu.vector_load %arg10[%swap3A_272, %swap3A_273] {strides = array<i32>} : memref<50x128xf32, #tpu.memory_space<vmem>>, vector<1x16xf32>,
        %swap3A_275 = vector.shape_cast %swap3A_274 : vector<1x16xf32> to vector<16xf32>
        %swap3A_276 = vector.shape_cast %mul3A_271 : vector<16xf32> to vector<1x16xf32>
        tpu.vector_store %arg10[%swap3A_272, %swap3A_273], %swap3A_276 {strides = array<i32>} : memref<50x128xf32, #tpu.memory_space<vmem>>, vector<1x16xf32>,
        %scan3A_277 = arith.constant 2 : i32
        %scan3A_278 = arith.addi %scan3A_187, %scan3A_277 : i32
        %get3A_279 = arith.index_cast %scan3A_278 : i32 to index
        %get3A_280 = arith.constant 0 : index
        %get3A_281 = tpu.vector_load %arg10[%get3A_279, %get3A_280] {strides = array<i32>} : memref<50x128xf32, #tpu.memory_space<vmem>>, vector<1x16xf32>,
        %get3A_282 = vector.shape_cast %get3A_281 : vector<1x16xf32> to vector<16xf32>
        %mul3A_283 = vector.broadcast %squeeze3A : f32 to vector<16xf32>
        %mul3A_284 = arith.mulf %get3A_282, %mul3A_283 : vector<16xf32>
        %swap3A_285 = arith.index_cast %scan3A_278 : i32 to index
        %swap3A_286 = arith.constant 0 : index
        %swap3A_287 = tpu.vector_load %arg10[%swap3A_285, %swap3A_286] {strides = array<i32>} : memref<50x128xf32, #tpu.memory_space<vmem>>, vector<1x16xf32>,
        %swap3A_288 = vector.shape_cast %swap3A_287 : vector<1x16xf32> to vector<16xf32>
        %swap3A_289 = vector.shape_cast %mul3A_284 : vector<16xf32> to vector<1x16xf32>
        tpu.vector_store %arg10[%swap3A_285, %swap3A_286], %swap3A_289 {strides = array<i32>} : memref<50x128xf32, #tpu.memory_space<vmem>>, vector<1x16xf32>,
        %get3A_290 = arith.index_cast %scan3A_278 : i32 to index
        %get3A_291 = arith.constant 16 : index
        %get3A_292 = tpu.vector_load %arg10[%get3A_290, %get3A_291] {strides = array<i32>} : memref<50x128xf32, #tpu.memory_space<vmem>>, vector<1x16xf32>,
        %get3A_293 = vector.shape_cast %get3A_292 : vector<1x16xf32> to vector<16xf32>
        %mul3A_294 = vector.broadcast %squeeze3A : f32 to vector<16xf32>
        %mul3A_295 = arith.mulf %get3A_293, %mul3A_294 : vector<16xf32>
        %swap3A_296 = arith.index_cast %scan3A_278 : i32 to index
        %swap3A_297 = arith.constant 16 : index
        %swap3A_298 = tpu.vector_load %arg10[%swap3A_296, %swap3A_297] {strides = array<i32>} : memref<50x128xf32, #tpu.memory_space<vmem>>, vector<1x16xf32>,
        %swap3A_299 = vector.shape_cast %swap3A_298 : vector<1x16xf32> to vector<16xf32>
        %swap3A_300 = vector.shape_cast %mul3A_295 : vector<16xf32> to vector<1x16xf32>
        tpu.vector_store %arg10[%swap3A_296, %swap3A_297], %swap3A_300 {strides = array<i32>} : memref<50x128xf32, #tpu.memory_space<vmem>>, vector<1x16xf32>,
        %get3A_301 = arith.index_cast %scan3A_278 : i32 to index
        %get3A_302 = arith.constant 32 : index
        %get3A_303 = tpu.vector_load %arg10[%get3A_301, %get3A_302] {strides = array<i32>} : memref<50x128xf32, #tpu.memory_space<vmem>>, vector<1x16xf32>,
        %get3A_304 = vector.shape_cast %get3A_303 : vector<1x16xf32> to vector<16xf32>
        %mul3A_305 = vector.broadcast %squeeze3A : f32 to vector<16xf32>
        %mul3A_306 = arith.mulf %get3A_304, %mul3A_305 : vector<16xf32>
        %swap3A_307 = arith.index_cast %scan3A_278 : i32 to index
        %swap3A_308 = arith.constant 32 : index
        %swap3A_309 = tpu.vector_load %arg10[%swap3A_307, %swap3A_308] {strides = array<i32>} : memref<50x128xf32, #tpu.memory_space<vmem>>, vector<1x16xf32>,
        %swap3A_310 = vector.shape_cast %swap3A_309 : vector<1x16xf32> to vector<16xf32>
        %swap3A_311 = vector.shape_cast %mul3A_306 : vector<16xf32> to vector<1x16xf32>
        tpu.vector_store %arg10[%swap3A_307, %swap3A_308], %swap3A_311 {strides = array<i32>} : memref<50x128xf32, #tpu.memory_space<vmem>>, vector<1x16xf32>,
        %get3A_312 = arith.index_cast %scan3A_278 : i32 to index
        %get3A_313 = arith.constant 48 : index
        %get3A_314 = tpu.vector_load %arg10[%get3A_312, %get3A_313] {strides = array<i32>} : memref<50x128xf32, #tpu.memory_space<vmem>>, vector<1x16xf32>,
        %get3A_315 = vector.shape_cast %get3A_314 : vector<1x16xf32> to vector<16xf32>
        %mul3A_316 = vector.broadcast %squeeze3A : f32 to vector<16xf32>
        %mul3A_317 = arith.mulf %get3A_315, %mul3A_316 : vector<16xf32>
        %swap3A_318 = arith.index_cast %scan3A_278 : i32 to index
        %swap3A_319 = arith.constant 48 : index
        %swap3A_320 = tpu.vector_load %arg10[%swap3A_318, %swap3A_319] {strides = array<i32>} : memref<50x128xf32, #tpu.memory_space<vmem>>, vector<1x16xf32>,
        %swap3A_321 = vector.shape_cast %swap3A_320 : vector<1x16xf32> to vector<16xf32>
        %swap3A_322 = vector.shape_cast %mul3A_317 : vector<16xf32> to vector<1x16xf32>
        tpu.vector_store %arg10[%swap3A_318, %swap3A_319], %swap3A_322 {strides = array<i32>} : memref<50x128xf32, #tpu.memory_space<vmem>>, vector<1x16xf32>,
        %scan3A_323 = arith.constant 3 : i32
        %scan3A_324 = arith.addi %scan3A_187, %scan3A_323 : i32
        %get3A_325 = arith.index_cast %scan3A_324 : i32 to index
        %get3A_326 = arith.constant 0 : index
        %get3A_327 = tpu.vector_load %arg10[%get3A_325, %get3A_326] {strides = array<i32>} : memref<50x128xf32, #tpu.memory_space<vmem>>, vector<1x16xf32>,
        %get3A_328 = vector.shape_cast %get3A_327 : vector<1x16xf32> to vector<16xf32>
        %mul3A_329 = vector.broadcast %squeeze3A : f32 to vector<16xf32>
        %mul3A_330 = arith.mulf %get3A_328, %mul3A_329 : vector<16xf32>
        %swap3A_331 = arith.index_cast %scan3A_324 : i32 to index
        %swap3A_332 = arith.constant 0 : index
        %swap3A_333 = tpu.vector_load %arg10[%swap3A_331, %swap3A_332] {strides = array<i32>} : memref<50x128xf32, #tpu.memory_space<vmem>>, vector<1x16xf32>,
        %swap3A_334 = vector.shape_cast %swap3A_333 : vector<1x16xf32> to vector<16xf32>
        %swap3A_335 = vector.shape_cast %mul3A_330 : vector<16xf32> to vector<1x16xf32>
        tpu.vector_store %arg10[%swap3A_331, %swap3A_332], %swap3A_335 {strides = array<i32>} : memref<50x128xf32, #tpu.memory_space<vmem>>, vector<1x16xf32>,
        %get3A_336 = arith.index_cast %scan3A_324 : i32 to index
        %get3A_337 = arith.constant 16 : index
        %get3A_338 = tpu.vector_load %arg10[%get3A_336, %get3A_337] {strides = array<i32>} : memref<50x128xf32, #tpu.memory_space<vmem>>, vector<1x16xf32>,
        %get3A_339 = vector.shape_cast %get3A_338 : vector<1x16xf32> to vector<16xf32>
        %mul3A_340 = vector.broadcast %squeeze3A : f32 to vector<16xf32>
        %mul3A_341 = arith.mulf %get3A_339, %mul3A_340 : vector<16xf32>
        %swap3A_342 = arith.index_cast %scan3A_324 : i32 to index
        %swap3A_343 = arith.constant 16 : index
        %swap3A_344 = tpu.vector_load %arg10[%swap3A_342, %swap3A_343] {strides = array<i32>} : memref<50x128xf32, #tpu.memory_space<vmem>>, vector<1x16xf32>,
        %swap3A_345 = vector.shape_cast %swap3A_344 : vector<1x16xf32> to vector<16xf32>
        %swap3A_346 = vector.shape_cast %mul3A_341 : vector<16xf32> to vector<1x16xf32>
        tpu.vector_store %arg10[%swap3A_342, %swap3A_343], %swap3A_346 {strides = array<i32>} : memref<50x128xf32, #tpu.memory_space<vmem>>, vector<1x16xf32>,
        %get3A_347 = arith.index_cast %scan3A_324 : i32 to index
        %get3A_348 = arith.constant 32 : index
        %get3A_349 = tpu.vector_load %arg10[%get3A_347, %get3A_348] {strides = array<i32>} : memref<50x128xf32, #tpu.memory_space<vmem>>, vector<1x16xf32>,
        %get3A_350 = vector.shape_cast %get3A_349 : vector<1x16xf32> to vector<16xf32>
        %mul3A_351 = vector.broadcast %squeeze3A : f32 to vector<16xf32>
        %mul3A_352 = arith.mulf %get3A_350, %mul3A_351 : vector<16xf32>
        %swap3A_353 = arith.index_cast %scan3A_324 : i32 to index
        %swap3A_354 = arith.constant 32 : index
        %swap3A_355 = tpu.vector_load %arg10[%swap3A_353, %swap3A_354] {strides = array<i32>} : memref<50x128xf32, #tpu.memory_space<vmem>>, vector<1x16xf32>,
        %swap3A_356 = vector.shape_cast %swap3A_355 : vector<1x16xf32> to vector<16xf32>
        %swap3A_357 = vector.shape_cast %mul3A_352 : vector<16xf32> to vector<1x16xf32>
        tpu.vector_store %arg10[%swap3A_353, %swap3A_354], %swap3A_357 {strides = array<i32>} : memref<50x128xf32, #tpu.memory_space<vmem>>, vector<1x16xf32>,
        %get3A_358 = arith.index_cast %scan3A_324 : i32 to index
        %get3A_359 = arith.constant 48 : index
        %get3A_360 = tpu.vector_load %arg10[%get3A_358, %get3A_359] {strides = array<i32>} : memref<50x128xf32, #tpu.memory_space<vmem>>, vector<1x16xf32>,
        %get3A_361 = vector.shape_cast %get3A_360 : vector<1x16xf32> to vector<16xf32>
        %mul3A_362 = vector.broadcast %squeeze3A : f32 to vector<16xf32>
        %mul3A_363 = arith.mulf %get3A_361, %mul3A_362 : vector<16xf32>
        %swap3A_364 = arith.index_cast %scan3A_324 : i32 to index
        %swap3A_365 = arith.constant 48 : index
        %swap3A_366 = tpu.vector_load %arg10[%swap3A_364, %swap3A_365] {strides = array<i32>} : memref<50x128xf32, #tpu.memory_space<vmem>>, vector<1x16xf32>,
        %swap3A_367 = vector.shape_cast %swap3A_366 : vector<1x16xf32> to vector<16xf32>
        %swap3A_368 = vector.shape_cast %mul3A_363 : vector<16xf32> to vector<1x16xf32>
        tpu.vector_store %arg10[%swap3A_364, %swap3A_365], %swap3A_368 {strides = array<i32>} : memref<50x128xf32, #tpu.memory_space<vmem>>, vector<1x16xf32>,
        %scan3A_369 = arith.constant 4 : i32
        %scan3A_370 = arith.addi %scan3A_187, %scan3A_369 : i32
        %get3A_371 = arith.index_cast %scan3A_370 : i32 to index
        %get3A_372 = arith.constant 0 : index
        %get3A_373 = tpu.vector_load %arg10[%get3A_371, %get3A_372] {strides = array<i32>} : memref<50x128xf32, #tpu.memory_space<vmem>>, vector<1x16xf32>,
        %get3A_374 = vector.shape_cast %get3A_373 : vector<1x16xf32> to vector<16xf32>
        %mul3A_375 = vector.broadcast %squeeze3A : f32 to vector<16xf32>
        %mul3A_376 = arith.mulf %get3A_374, %mul3A_375 : vector<16xf32>
        %swap3A_377 = arith.index_cast %scan3A_370 : i32 to index
        %swap3A_378 = arith.constant 0 : index
        %swap3A_379 = tpu.vector_load %arg10[%swap3A_377, %swap3A_378] {strides = array<i32>} : memref<50x128xf32, #tpu.memory_space<vmem>>, vector<1x16xf32>,
        %swap3A_380 = vector.shape_cast %swap3A_379 : vector<1x16xf32> to vector<16xf32>
        %swap3A_381 = vector.shape_cast %mul3A_376 : vector<16xf32> to vector<1x16xf32>
        tpu.vector_store %arg10[%swap3A_377, %swap3A_378], %swap3A_381 {strides = array<i32>} : memref<50x128xf32, #tpu.memory_space<vmem>>, vector<1x16xf32>,
        %get3A_382 = arith.index_cast %scan3A_370 : i32 to index
        %get3A_383 = arith.constant 16 : index
        %get3A_384 = tpu.vector_load %arg10[%get3A_382, %get3A_383] {strides = array<i32>} : memref<50x128xf32, #tpu.memory_space<vmem>>, vector<1x16xf32>,
        %get3A_385 = vector.shape_cast %get3A_384 : vector<1x16xf32> to vector<16xf32>
        %mul3A_386 = vector.broadcast %squeeze3A : f32 to vector<16xf32>
        %mul3A_387 = arith.mulf %get3A_385, %mul3A_386 : vector<16xf32>
        %swap3A_388 = arith.index_cast %scan3A_370 : i32 to index
        %swap3A_389 = arith.constant 16 : index
        %swap3A_390 = tpu.vector_load %arg10[%swap3A_388, %swap3A_389] {strides = array<i32>} : memref<50x128xf32, #tpu.memory_space<vmem>>, vector<1x16xf32>,
        %swap3A_391 = vector.shape_cast %swap3A_390 : vector<1x16xf32> to vector<16xf32>
        %swap3A_392 = vector.shape_cast %mul3A_387 : vector<16xf32> to vector<1x16xf32>
        tpu.vector_store %arg10[%swap3A_388, %swap3A_389], %swap3A_392 {strides = array<i32>} : memref<50x128xf32, #tpu.memory_space<vmem>>, vector<1x16xf32>,
        %get3A_393 = arith.index_cast %scan3A_370 : i32 to index
        %get3A_394 = arith.constant 32 : index
        %get3A_395 = tpu.vector_load %arg10[%get3A_393, %get3A_394] {strides = array<i32>} : memref<50x128xf32, #tpu.memory_space<vmem>>, vector<1x16xf32>,
        %get3A_396 = vector.shape_cast %get3A_395 : vector<1x16xf32> to vector<16xf32>
        %mul3A_397 = vector.broadcast %squeeze3A : f32 to vector<16xf32>
        %mul3A_398 = arith.mulf %get3A_396, %mul3A_397 : vector<16xf32>
        %swap3A_399 = arith.index_cast %scan3A_370 : i32 to index
        %swap3A_400 = arith.constant 32 : index
        %swap3A_401 = tpu.vector_load %arg10[%swap3A_399, %swap3A_400] {strides = array<i32>} : memref<50x128xf32, #tpu.memory_space<vmem>>, vector<1x16xf32>,
        %swap3A_402 = vector.shape_cast %swap3A_401 : vector<1x16xf32> to vector<16xf32>
        %swap3A_403 = vector.shape_cast %mul3A_398 : vector<16xf32> to vector<1x16xf32>
        tpu.vector_store %arg10[%swap3A_399, %swap3A_400], %swap3A_403 {strides = array<i32>} : memref<50x128xf32, #tpu.memory_space<vmem>>, vector<1x16xf32>,
        %get3A_404 = arith.index_cast %scan3A_370 : i32 to index
        %get3A_405 = arith.constant 48 : index
        %get3A_406 = tpu.vector_load %arg10[%get3A_404, %get3A_405] {strides = array<i32>} : memref<50x128xf32, #tpu.memory_space<vmem>>, vector<1x16xf32>,
        %get3A_407 = vector.shape_cast %get3A_406 : vector<1x16xf32> to vector<16xf32>
        %mul3A_408 = vector.broadcast %squeeze3A : f32 to vector<16xf32>
        %mul3A_409 = arith.mulf %get3A_407, %mul3A_408 : vector<16xf32>
        %swap3A_410 = arith.index_cast %scan3A_370 : i32 to index
        %swap3A_411 = arith.constant 48 : index
        %swap3A_412 = tpu.vector_load %arg10[%swap3A_410, %swap3A_411] {strides = array<i32>} : memref<50x128xf32, #tpu.memory_space<vmem>>, vector<1x16xf32>,
        %swap3A_413 = vector.shape_cast %swap3A_412 : vector<1x16xf32> to vector<16xf32>
        %swap3A_414 = vector.shape_cast %mul3A_409 : vector<16xf32> to vector<1x16xf32>
        tpu.vector_store %arg10[%swap3A_410, %swap3A_411], %swap3A_414 {strides = array<i32>} : memref<50x128xf32, #tpu.memory_space<vmem>>, vector<1x16xf32>,
      }
      %scan3A_177 = arith.constant 50 : i32
      %add3A_178 = arith.addi %mul3A_6, %add3A_150 : i32
      %dma_start3A_179 = arith.constant 0 : i32
      %dma_start3A_180 = arith.constant 0 : i32
      %dma_start3A_181 = tpu.memref_slice %arg5[%add3A_178, %dma_start3A_179, %dma_start3A_180] : memref<4096x50x128xf32, #tpu.memory_space<hbm>> -> memref<1x50x128xf32, #tpu.memory_space<hbm>>
      %dma_start3A_182 = tpu.memref_squeeze %dma_start3A_181 : memref<1x50x128xf32, #tpu.memory_space<hbm>> -> memref<50x128xf32, #tpu.memory_space<hbm>>
      %dma_start3A_183 = arith.constant 0 : i32
      %dma_start3A_184 = arith.constant 0 : i32
      %dma_start3A_185 = tpu.memref_slice %arg5[%add3A_178, %dma_start3A_183, %dma_start3A_184] : memref<4096x50x128xf32, #tpu.memory_space<hbm>> -> memref<1x50x128xf32, #tpu.memory_space<hbm>>
      %dma_start3A_186 = tpu.memref_squeeze %dma_start3A_185 : memref<1x50x128xf32, #tpu.memory_space<hbm>> -> memref<50x128xf32, #tpu.memory_space<hbm>>
      tpu.enqueue_dma source(%arg10 : memref<50x128xf32, #tpu.memory_space<vmem>>) target(%dma_start3A_186 : memref<50x128xf32, #tpu.memory_space<hbm>>) target_semaphore(%arg18 : memref<!tpu.dma_semaphore, #tpu.memory_space<semaphore_mem>>)
    }
    %scan3A_19 = arith.constant 32 : i32
    %dma_wait3A = arith.constant 0 : i32
    %dma_wait3A_20 = arith.constant 0 : i32
    %dma_wait3A_21 = tpu.memref_slice %arg5[%mul3A_6, %dma_wait3A, %dma_wait3A_20] : memref<4096x50x128xf32, #tpu.memory_space<hbm>> -> memref<1x50x128xf32, #tpu.memory_space<hbm>>
    %dma_wait3A_22 = tpu.memref_squeeze %dma_wait3A_21 : memref<1x50x128xf32, #tpu.memory_space<hbm>> -> memref<50x128xf32, #tpu.memory_space<hbm>>
    %dma_wait3A_23 = arith.constant 0 : i32
    %dma_wait3A_24 = arith.constant 0 : i32
    %dma_wait3A_25 = tpu.memref_slice %arg5[%mul3A_6, %dma_wait3A_23, %dma_wait3A_24] : memref<4096x50x128xf32, #tpu.memory_space<hbm>> -> memref<1x50x128xf32, #tpu.memory_space<hbm>>
    %dma_wait3A_26 = tpu.memref_squeeze %dma_wait3A_25 : memref<1x50x128xf32, #tpu.memory_space<hbm>> -> memref<50x128xf32, #tpu.memory_space<hbm>>
    tpu.wait_dma2 semaphore(%arg17 : memref<!tpu.dma_semaphore, #tpu.memory_space<semaphore_mem>>) src(%arg9 : memref<50x128xf32, #tpu.memory_space<vmem>>) dst(%dma_wait3A_26 : memref<50x128xf32, #tpu.memory_space<hbm>>)
    %dma_wait3A_27 = arith.constant 0 : i32
    %dma_wait3A_28 = arith.constant 0 : i32
    %dma_wait3A_29 = tpu.memref_slice %arg5[%mul3A_6, %dma_wait3A_27, %dma_wait3A_28] : memref<4096x50x128xf32, #tpu.memory_space<hbm>> -> memref<1x50x128xf32, #tpu.memory_space<hbm>>
    %dma_wait3A_30 = tpu.memref_squeeze %dma_wait3A_29 : memref<1x50x128xf32, #tpu.memory_space<hbm>> -> memref<50x128xf32, #tpu.memory_space<hbm>>
    %dma_wait3A_31 = arith.constant 0 : i32
    %dma_wait3A_32 = arith.constant 0 : i32
    %dma_wait3A_33 = tpu.memref_slice %arg5[%mul3A_6, %dma_wait3A_31, %dma_wait3A_32] : memref<4096x50x128xf32, #tpu.memory_space<hbm>> -> memref<1x50x128xf32, #tpu.memory_space<hbm>>
    %dma_wait3A_34 = tpu.memref_squeeze %dma_wait3A_33 : memref<1x50x128xf32, #tpu.memory_space<hbm>> -> memref<50x128xf32, #tpu.memory_space<hbm>>
    tpu.wait_dma2 semaphore(%arg18 : memref<!tpu.dma_semaphore, #tpu.memory_space<semaphore_mem>>) src(%arg10 : memref<50x128xf32, #tpu.memory_space<vmem>>) dst(%dma_wait3A_34 : memref<50x128xf32, #tpu.memory_space<hbm>>)
    return
  }
}

</mosaic_0001>

<sc_bundles>
// kernel: kernel.3.cloned.1.call-start
scs
__scs_entry_jumppad:
0x0: {  	(pc) =	sbr.rel $0x88, $3  }
0x1: {  	(tag) =	ssettag $0x0;
	lr =	simm.s32 $0x1  }
0x2: {  	[smem:$0x3F9F] =	sst lr;
	_ =	strace $0xD0000000  }
0x3: {  	_ = 	snop  }
0x4: {  	_ = 	snop  }
0x5: {  	_ = 	snop  }
0x6: {  	_ = 	snop  }
0x7: {  	_ = 	snop  }
__scs_overlays_trampoline_lowered:
0x8: {  	[smem:$0x3FAE] =	sst s0  }
0x9: {  	[smem:$0x3FAF] =	sst s1  }
0xa: {  	[smem:$0x3FB0] =	sst s2  }
0xb: {  	[smem:$0x3FB1] =	sst s3  }
0xc: {  	[smem:$0x3FB2] =	sst s4  }
0xd: {  	[smem:$0x3FB3] =	sst s5  }
0xe: {  	[smem:$0x3FB4] =	sst s6  }
0xf: {  	[smem:$0x3FB5] =	sst s7  }
0x10: {  	[smem:$0x3FB6] =	sst s8  }
0x11: {  	[smem:$0x3FB7] =	sst s9;
	s0 =	simm.s32 @!p0 $0x0  }
0x12: {  	s1 =	sld [smem:$0x3F9D];
	s0 =	simm.s32 @p0 $0x1  }
0x13: {  	[smem:$0x3FB8] =	sst s0;
	s0 =	simm.s32 @!p1 $0x0  }
0x14: {  	s2 =	sld [smem:$0x3F9C];
	s0 =	simm.s32 @p1 $0x1  }
0x15: {  	[smem:$0x3FB9] =	sst s0;
	s0 =	simm.s32 @!p2 $0x0  }
0x16: {  	s3 =	sld [smem:$0x3FDB];
	s0 =	simm.s32 @p2 $0x1  }
0x17: {  	s4 =	simm.s32 $0x1BF5;
	[smem:$0x3FBB] =	sst s0  }
0x18: {  	s0 =	sld [smem:$0x3F9E];
	_ =	swait.ge [sflag:s4], $0x0  }
0x19: {  	s7 =	sld [smem:$0x3F9F]  }
0x1a: {  	s8 =	sadd.s32 $0xFFFFE003, lr  }
0x1b: {  	s9 =	sadd.s32 $0xFFFFFEF7, lr;
	s5 =	simm.s32 $0xFFFFFFFF;
	p2 =	slt.u32 s8, $0xFFFFF086  }
0x1c: {  	p1 =	slt.u32 s9, $0xF7A;
	s5 =	simm.s32 @!p2 $0x0  }
0x1d: {  	s5 =	simm.s32 @p1 $0x1;
	p0 =	seq.s32 s7, s2  }
0x1e: {  	s7 =	smul.u32 @!p0 $0xF7A, s2;
	p2 =	seq.s32 @!p0 s5, $0x0  }
0x1f: {  	s9 =	smul.u32 $0xF7A, s1;
	s8 =	simm.s32 @!p0 $0x1BF5;
	p2 =	por !p2, p0  }
0x20: {  	[sflag:s8] =	ssyncset.s32 @!p0 $0xFFFFF086;
	s6 =	sadd.s32 @!p0 s3, s7;
	s7 =	simm.s32 @!p0 $0x108  }
0x21: {  	s3 =	sadd.s32 s3, s9;
	s6 =	sadd.s32 @!p0 $0x88, s6;
	s7 =	simm.s32 @p2 $0x1082  }
0x22: {  	[simem:s7], [sflag:s8] =	dma.local @!p0 [hbm:s6], $0xF7A  }
0x23: {  	s9 =	sor.u32 $0xD0000000, s2;
	s6 =	simm.s32 $0x108;
	_ =	swait.ge @!p0 [sflag:s8], $0x0  }
0x24: {  	s3 =	sadd.s32 $0x88, s3;
	s6 =	simm.s32 @!p1 $0x1082;
	[sflag:s4] =	ssyncset.s32 $0xFFFFF086  }
0x25: {  	[simem:s6], [sflag:s4] =	dma.local [hbm:s3], $0xF7A  }
0x26: {  	[smem:$0x3F9F] =	sst s1;
	(tag) =	ssettag s2;
	_ =	strace s9  }
0x27: {  	s1 =	sld [smem:$0x3FAF]  }
0x28: {  	s2 =	sld [smem:$0x3FB0]  }
0x29: {  	s4 =	sld [smem:$0x3FB2]  }
0x2a: {  	p0 =	seq.s32 s5, $0x0;
	s5 =	sld [smem:$0x3FB3]  }
0x2b: {  	s6 =	sld [smem:$0x3FB4]  }
0x2c: {  	s7 =	sld [smem:$0x3FB5]  }
0x2d: {  	s3 =	simm.s32 $0x108;
	s8 =	sld [smem:$0x3FB6]  }
0x2e: {  	s3 =	simm.s32 @!p0 $0x1082;
	s9 =	sld [smem:$0x3FB7]  }
0x2f: {  	lr =	sadd.s32 s0, s3;
	s0 =	sld [smem:$0x3FAE]  }
0x30: {  	s3 =	sld [smem:$0x3FB1]  }
0x31: {  	[smem:$0x3FBA] =	sst s10  }
0x32: {  	s10 =	sld [smem:$0x3FB8];
	_ =	sdelay $0x3  }
0x33: {  	p0 =	seq.s32 s10, $0x1;
	s10 =	sld [smem:$0x3FBA];
	_ =	sdelay $0x3  }
0x34: {  	[smem:$0x3FBA] =	sst s10  }
0x35: {  	s10 =	sld [smem:$0x3FB9];
	_ =	sdelay $0x3  }
0x36: {  	p1 =	seq.s32 s10, $0x1;
	s10 =	sld [smem:$0x3FBA];
	_ =	sdelay $0x3  }
0x37: {  	[smem:$0x3FBA] =	sst s10  }
0x38: {  	s10 =	sld [smem:$0x3FBB]  }
0x39: {  	_ = 	snop;
	(pc) =	sbr.ind lr, $3  }
0x3a: {  	_ = 	snop  }
0x3b: {  	_ = 	snop  }
0x3c: {  	p2 =	seq.s32 s10, $0x1;
	s10 =	sld [smem:$0x3FBA]  }
0x3d: {  	_ =	shalt  }
0x3e: {  	_ =	shalt  }
0x3f: {  	_ =	shalt  }
0x40: {  	_ =	shalt  }
0x41: {  	_ =	shalt  }
0x42: {  	_ =	shalt  }
0x43: {  	_ =	shalt  }
0x44: {  	_ =	shalt  }
0x45: {  	_ =	shalt  }
0x46: {  	_ =	shalt  }
0x47: {  	_ =	shalt  }
0x48: {  	_ =	shalt  }
0x49: {  	_ =	shalt  }
0x4a: {  	_ =	shalt  }
0x4b: {  	_ =	shalt  }
0x4c: {  	_ =	shalt  }
0x4d: {  	_ =	shalt  }
0x4e: {  	_ =	shalt  }
0x4f: {  	_ =	shalt  }
0x50: {  	_ =	shalt  }
0x51: {  	_ =	shalt  }
0x52: {  	_ =	shalt  }
0x53: {  	_ =	shalt  }
0x54: {  	_ =	shalt  }
0x55: {  	_ =	shalt  }
0x56: {  	_ =	shalt  }
0x57: {  	_ =	shalt  }
0x58: {  	_ =	shalt  }
0x59: {  	_ =	shalt  }
0x5a: {  	_ =	shalt  }
0x5b: {  	_ =	shalt  }
0x5c: {  	_ =	shalt  }
0x5d: {  	_ =	shalt  }
0x5e: {  	_ =	shalt  }
0x5f: {  	_ =	shalt  }
0x60: {  	_ =	shalt  }
0x61: {  	_ =	shalt  }
0x62: {  	_ =	shalt  }
0x63: {  	_ =	shalt  }
0x64: {  	_ =	shalt  }
0x65: {  	_ =	shalt  }
0x66: {  	_ =	shalt  }
0x67: {  	_ =	shalt  }
0x68: {  	_ =	shalt  }
0x69: {  	_ =	shalt  }
0x6a: {  	_ =	shalt  }
0x6b: {  	_ =	shalt  }
0x6c: {  	_ =	shalt  }
0x6d: {  	_ =	shalt  }
0x6e: {  	_ =	shalt  }
0x6f: {  	_ =	shalt  }
0x70: {  	_ =	shalt  }
0x71: {  	_ =	shalt  }
0x72: {  	_ =	shalt  }
0x73: {  	_ =	shalt  }
0x74: {  	_ =	shalt  }
0x75: {  	_ =	shalt  }
0x76: {  	_ =	shalt  }
0x77: {  	_ =	shalt  }
0x78: {  	_ =	shalt  }
0x79: {  	_ =	shalt  }
0x7a: {  	_ =	shalt  }
0x7b: {  	_ =	shalt  }
0x7c: {  	_ =	shalt  }
0x7d: {  	_ =	shalt  }
0x7e: {  	_ =	shalt  }
0x7f: {  	_ =	shalt  }
0x80: {  	_ =	shalt  }
0x81: {  	_ =	shalt  }
0x82: {  	_ =	shalt  }
0x83: {  	_ =	shalt  }
0x84: {  	_ =	shalt  }
0x85: {  	_ =	shalt  }
0x86: {  	_ =	shalt  }
0x87: {  	_ =	shalt  }
.Lfunc_end0:
.L_simem_size_0:
called_computation.1_lowered:
.L_overlay_start_0:
0x88: {  	s2 =	sld [smem:$0x3FD9]  }
0x89: {  	s3 =	sld [smem:$0x3FFE];
	_ =	sdelay $0x1  }
0x8a: {  	s1 =	srdreg.scid  }
0x8b: {  	s0 =	sand.u32 $0x1, s1  }
0x8c: {  	s17 =	sshll.u32 s0, $0xA;
	s2 =	sadd.s32 s3, s2  }
0x8d: {  	s2 =	sadd.s32 s2, s17  }
0x8e: {  	[smem:$0x3FC6] =	sst s2  }
0x8f: {  	_ = 	snop  }
0x90: {  	s2 =	sld [smem:$0x3FD0];
	(tm) =	ssettm $0x1  }
0x91: {  	s18 =	sld [smem:$0x3FFB];
	_ =	sdelay $0x3  }
0x92: {  	_ =	strace s18  }
0x93: {  	s3 =	sld [smem:$0x3FFC];
	_ =	sdelay $0x3  }
0x94: {  	_ =	strace s3  }
0x95: {  	s3 =	sld [smem:$0x3FFD];
	_ =	sdelay $0x3  }
0x96: {  	_ =	strace s3  }
0x97: {  	_ =	strace $0x8FFFFFFF  }
0x98: {  	s19 =	sld [smem:$0x3FDB];
	_ =	sdelay $0x1  }
0x99: {  	s4 =	simm.s32 $_scs_section_size  }
0x9a: {  	s5 =	simm.s32 $_size__tile_overlayer_lowered;
	s6 =	simm.s32 $_tile_overlayer_lowered  }
0x9b: {  	s22 =	simm.s32 $0x1BFF;
	s21 =	sshll.u32 s6, $0x1;
	s3 =	sadd.s32 s4, s19  }
0x9c: {  	s7 =	simm.s32 $0x0;
	s20 =	sshll.u32 s5, $0x1;
	s5 =	sadd.s32 s21, s3  }
0x9d: {  	[timem:s7], [sflag:s22] =	dma.local [hbm:s5], s20  }
0x9e: {  	_ =	swait.ge [sflag:s22], s20  }
0x9f: {  	s4 =	ssub.s32 $0x0, s20;
	[sflag:s22] =	ssyncset.done $0x0  }
0xa0: {  	[sflag:s22] =	ssyncadd.s32 s4;
	_ =	sdelay $0x1  }
0xa1: {  	s23 =	simm.s32 $0x1B8B  }
0xa2: {  	_ =	swait.ge [sflag:s23], $0x1  }
0xa3: {  	[sflag:s23] =	ssyncset.done $0x0  }
0xa4: {  	s25 =	simm.s32 $0x1B8E;
	s24 =	sld [smem:$0x3FFE];
	[sflag:s23] =	ssyncadd.s32 $0xFFFFFFFF  }
0xa5: {  	s26 =	simm.s32 $execute0_lowered;
	[smem:$0x3FD2] =	sst s25  }
0xa6: {  	s5 =	sshll.u32 s26, $0x1;
	_ =	strace $0x80000046;
	[dreg:$0x1] =	wrdreg $0xFFFFFFFF  }
0xa7: {  	s28 =	simm.s32 $_size_execute0_lowered;
	s3 =	sadd.s32 s3, s5;
	[dreg:$0x0] =	wrdreg $0x0  }
0xa8: {  	s5 =	sshll.u32 s28, $0x1;
	[dreg:$0x2] =	wrdreg s3  }
0xa9: {  	[dreg:$0x3] =	wrdreg s5  }
0xaa: {  	[dreg:$0x4] =	wrdreg $0xC0  }
0xab: {  	_ =	task [dreg:s7], $0x5FFFF  }
0xac: {  	[dreg:$0x1] =	wrdreg $0xFFFFFFFF  }
0xad: {  	[dreg:$0x0] =	wrdreg $0x60  }
0xae: {  	[dreg:$0x2] =	wrdreg s2  }
0xaf: {  	[dreg:$0x3] =	wrdreg s24  }
0xb0: {  	[dreg:$0x4] =	wrdreg $0x9  }
0xb1: {  	_ =	task.clear_ibuf [dreg:s7], $0x5FFFF;
	_ =	strace $0x90000046  }
0xb2: {  	s29 =	simm.s32 $0x9;
	_ =	strace $0x80000048  }
0xb3: {  	_ =	swait.ge [sflag:s29], $0x1  }
0xb4: {  	[sflag:s29] =	ssyncadd.s32 $0xFFFFFFFF  }
0xb5: {  	_ =	strace $0x90000048  }
0xb6: {  	_ =	sfence  }
0xb7: {  	s30 =	sld [smem:$0x0];
	_ =	sdelay $0x2  }
0xb8: {  	s31 =	sshll.u32 s1, $0xD;
	s1 =	sshrl.u32 s1, $0x2  }
0xb9: {  	s3 =	sand.u32 $0x4000, s31;
	s1 =	sadd.s32 s1, s30  }
0xba: {  	s0 =	sor.u32 s3, s0;
	s1 =	sshll.u32 s1, $0x11  }
0xbb: {  	s0 =	sor.u32 s1, s0  }
0xbc: {  	s0 =	sadd.s32 $0x8F2B, s0  }
0xbd: {  	[sflag:s0] =	ssyncadd.remote.s32 $0x1  }
0xbe: {  	_ =	sfence.sel $0xFFFF  }
0xbf: {  	[dreg:$0x0] =	wrdreg $0xFFFFFFFF;
	(pc) =	sbr.abs _section_cstart, $3  }
0xc0: {  	[dreg:$0x1] =	wrdreg $0xFFFFFFFF  }
0xc1: {  	_ =	task.clear_ibuf [dreg:s7], $0x2FFFF;
	_ =	strace $0x9FFFFFFF  }
0xc2: {  	(tm) =	ssettm $0x7FFFFFFF  }
0xc3: {  	_ =	shalt  }
tec
execute0_lowered:
.L_overlay_start_1:
0x0: {  	(tag) =	ssettag $0x1  }
0x1: {  	s0 =	rddreg [dreg:$0x0]  }
0x2: {  	s1 =	rddreg [dreg:$0x1];
	s2 =	simm.s32 $0x0;
	s3 =	srdreg.scid  }
0x3: {  	s5 =	stileid.u32;
	s9 =	simm.s32 $0x8C00;
	s10 =	simm.s32 $0x9  }
0x4: {  	s11 =	simm.s32 $0x32;
	s12 =	simm.s32 $0x1C00;
	s13 =	simm.s32 $0x38  }
0x5: {  	s14 =	simm.s32 $0x3800;
	s15 =	simm.s32 $0x5400;
	s16 =	simm.s32 $0x1  }
0x6: {  	s17 =	simm.s32 $0x7000;
	s18 =	simm.s32 $0x2;
	s19 =	simm.s32 $0x5  }
0x7: {  	s20 =	simm.s32 $0x3;
	s21 =	simm.s32 $0x6;
	s22 =	simm.s32 $0x4  }
0x8: {  	s23 =	simm.s32 $0x7;
	s24 =	simm.s32 $0x8;
	s25 =	simm.s32 $0x0  }
0x9: {  	[smem:$0x7FF] =	sst s2;
	s4 =	sand.u32 $0x1, s3;
	s30 =	sshll.u32 s5, $0x1  }
0xa: {  	s3 =	sadd.s32 $0xF42E00, s1;
	s6 =	sor.u32 s4, s30;
	s7 =	ssub.s32 $0x2, s4  }
0xb: {  	s5 =	sadd.s32 $0xC00, s1;
	s8 =	smul.u32 $0x380, s6;
	s31 =	sshrl.u32 s7, $0x1  }
0xc: {  	_ =	strace $0x80000047;
	s4 =	sadd.s32 $0xA00, s1;
	s1 =	ssub.s32 s7, s31  }
0xd: {  	s6 =	sshll.u32 s6, $0x7;
	s7 =	sadd.s32 s0, s8;
	s8 =	smax.u32 s1, $0x1  }
.LBB2_1:
0xe: {  	[tilespmem:s9], [sflag:$0x9] =	stream.linear.gather [hbm4b:s4+s2], $0x1, $0x38;
	[tilespmem:$0x8C80] =	vst v63  }
0xf: {  	_ =	swait.ge [sflag:s10], $0x1  }
0x10: {  	[sflag:s10] =	ssyncset.done $0x0  }
0x11: {  	[sflag:s10] =	ssyncadd.s32 $0xFFFFFFFF  }
0x12: {  	v0 =	vld.msk [tilespmem:$0x8C00 ss:$0x0], $0xffff;
	[tilespmem:s2], [sflag:$0x9] =	stream.linear.gather [hbm4b:s7+s2], $0x1C00, $0x38  }
0x13: {  	_ =	swait.ge [sflag:s10], $0x1C00  }
0x14: {  	[sflag:s10] =	ssyncset.done $0x0  }
0x15: {  	[sflag:s10] =	ssyncadd.s32 $0xFFFFE400  }
0x16: {  	[tilespmem:s12], [sflag:$0x1] =	stream.indirect.gather [hbm4b:s3+s11], $0x80, s2, s11, $0xb8;
	[tilespmem:$0x8C80] =	vst v63  }
0x17: {  	s26 =	simm.s32 $0x0  }
0x18: {  	[tilespmem:s14], [sflag:$0x2] =	stream.indirect.gather [hbm4b:s3+s11], $0x80, s13, s11, $0xb8;
	[tilespmem:$0x8C80] =	vst v63  }
.LBB2_2:
0x19: {  	s30 =	sshll.u32 s26, $0x2;
	p0 =	seq.s32 s26, $0x0  }
0x1a: {  	s0 =	simm.s32 @!p0 $0x7;
	s28 =	sor.u32 $0x2, s30  }
0x1b: {  	_ =	swait.ge @!p0 [sflag:s0], $0x1900;
	s1 =	smul.u32 $0xE0, s28  }
0x1c: {  	[sflag:s0] =	ssyncset.done @!p0 $0x0  }
0x1d: {  	[sflag:s0] =	ssyncadd.s32 @!p0 $0xFFFFE700;
	s1 =	sshra.s32 s1, $0x2  }
0x1e: {  	[tilespmem:s15], [sflag:$0x3] =	stream.indirect.gather [hbm4b:s3+s11], $0x80, s1, s11, $0xb8;
	[tilespmem:$0x8C80] =	vst v63  }
0x1f: {  	_ =	swait.ge [sflag:s16], $0x1900  }
0x20: {  	[sflag:s16] =	ssyncset.done $0x0  }
0x21: {  	s29 =	simm.s32 $0x1D20;
	[sflag:s16] =	ssyncadd.s32 $0xFFFFE700  }
0x22: {  	v1 =	vld [tilespmem:s29+$0xFFFFFEE0]  }
0x23: {  	v2 =	vld [tilespmem:s29+$0xFFFFFEF0]  }
0x24: {  	v3 =	vld [tilespmem:s29+$0xFFFFFF00]  }
0x25: {  	v4 =	vld [tilespmem:s29+$0xFFFFFF10]  }
0x26: {  	v5 =	vld [tilespmem:s29+$0xFFFFFF60]  }
0x27: {  	v6 =	vld [tilespmem:s29+$0xFFFFFF70];
	v1 =	vmul.f32 v1, v0  }
0x28: {  	v7 =	vld [tilespmem:s29+$0xFFFFFF80];
	v2 =	vmul.f32 v2, v0  }
0x29: {  	[tilespmem:s29+$0xFFFFFEE0] =	vst v1;
	v1 =	vmul.f32 v3, v0;
	v3 =	vld [tilespmem:s29+$0xFFFFFF90]  }
0x2a: {  	[tilespmem:s29+$0xFFFFFEF0] =	vst v2;
	v2 =	vmul.f32 v4, v0;
	v4 =	vld [tilespmem:s29+$0xFFFFFFE0]  }
0x2b: {  	[tilespmem:s29+$0xFFFFFF00] =	vst v1;
	v1 =	vmul.f32 v5, v0;
	v5 =	vld [tilespmem:s29+$0x0]  }
0x2c: {  	[tilespmem:s29+$0xFFFFFF10] =	vst v2;
	v2 =	vmul.f32 v6, v0;
	v6 =	vld [tilespmem:s29+$0x10]  }
0x2d: {  	[tilespmem:s29+$0xFFFFFF60] =	vst v1;
	v1 =	vmul.f32 v7, v0;
	v7 =	vld [tilespmem:s29+$0x60]  }
0x2e: {  	[tilespmem:s29+$0xFFFFFF70] =	vst v2;
	v2 =	vmul.f32 v3, v0;
	v3 =	vld [tilespmem:s29+$0x70]  }
0x2f: {  	v8 =	vld [tilespmem:s29+$0x80];
	[tilespmem:s29+$0xFFFFFF80] =	vst v1;
	v1 =	vmul.f32 v4, v0  }
0x30: {  	v9 =	vld [tilespmem:s29+$0x90];
	[tilespmem:s29+$0xFFFFFF90] =	vst v2;
	v2 =	vmul.f32 v5, v0  }
0x31: {  	v4 =	vmul.f32 v6, v0;
	[tilespmem:s29+$0xFFFFFFE0] =	vst v1;
	v1 =	vld [tilespmem:s29+$0xE0]  }
0x32: {  	[tilespmem:s29+$0x0] =	vst v2;
	v5 =	vmul.f32 v7, v0;
	v2 =	vld [tilespmem:s29+$0xF0]  }
0x33: {  	[tilespmem:s29+$0x10] =	vst v4;
	v7 =	vmul.f32 v3, v0;
	v3 =	vld [tilespmem:s29+$0x100]  }
0x34: {  	v6 =	vmul.f32 v8, v0;
	v4 =	vld [tilespmem:s29+$0x110];
	[tilespmem:s29+$0x60] =	vst v5  }
0x35: {  	s31 =	simm.s32 $0x0;
	s0 =	simm.s32 $0x1FA0;
	v5 =	vld [tilespmem:s29+$0xFFFFFFF0];
	[tilespmem:s29+$0x70] =	vst v7;
	v7 =	vmul.f32 v9, v0  }
.LBB2_3:
0x36: {  	v8 =	vld [tilespmem:s0+$0xFFFFFEE0];
	[tilespmem:s29+$0x80] =	vst v6;
	v1 =	vmul.f32 v1, v0  }
0x37: {  	v6 =	vld [tilespmem:s0+$0xFFFFFEF0];
	[tilespmem:s29+$0x90] =	vst v7;
	v2 =	vmul.f32 v2, v0  }
0x38: {  	v7 =	vld [tilespmem:s0+$0xFFFFFF00];
	[tilespmem:s29+$0xE0] =	vst v1;
	v1 =	vmul.f32 v3, v0  }
0x39: {  	v3 =	vld [tilespmem:s0+$0xFFFFFF10];
	[tilespmem:s29+$0xF0] =	vst v2;
	v2 =	vmul.f32 v4, v0  }
0x3a: {  	v4 =	vld [tilespmem:s0+$0xFFFFFF60];
	v5 =	vmul.f32 v5, v0;
	[tilespmem:s29+$0x100] =	vst v1  }
0x3b: {  	v1 =	vmul.f32 v8, v0;
	v8 =	vld [tilespmem:s0+$0xFFFFFF70];
	[tilespmem:s29+$0x110] =	vst v2  }
0x3c: {  	v2 =	vmul.f32 v6, v0;
	v6 =	vld [tilespmem:s0+$0xFFFFFF80];
	[tilespmem:s29+$0xFFFFFFF0] =	vst v5;
	s29 =	smov.u32 s0  }
0x3d: {  	[tilespmem:s0+$0xFFFFFEE0] =	vst v1;
	v1 =	vmul.f32 v7, v0;
	v5 =	vld [tilespmem:s0+$0xFFFFFF90]  }
0x3e: {  	[tilespmem:s0+$0xFFFFFEF0] =	vst v2;
	v2 =	vmul.f32 v3, v0;
	v3 =	vld [tilespmem:s0+$0xFFFFFFE0]  }
0x3f: {  	[tilespmem:s0+$0xFFFFFF00] =	vst v1;
	v1 =	vmul.f32 v4, v0;
	v4 =	vld [tilespmem:s0+$0x0]  }
0x40: {  	[tilespmem:s0+$0xFFFFFF10] =	vst v2;
	v2 =	vmul.f32 v8, v0;
	v7 =	vld [tilespmem:s0+$0x10]  }
0x41: {  	[tilespmem:s0+$0xFFFFFF60] =	vst v1;
	v1 =	vmul.f32 v6, v0;
	v6 =	vld [tilespmem:s0+$0x60]  }
0x42: {  	[tilespmem:s0+$0xFFFFFF70] =	vst v2;
	v2 =	vmul.f32 v5, v0;
	v5 =	vld [tilespmem:s0+$0x70]  }
0x43: {  	s31 =	sadd.s32 $0x5, s31;
	[tilespmem:s0+$0xFFFFFF80] =	vst v1;
	v1 =	vmul.f32 v3, v0;
	v8 =	vld [tilespmem:s0+$0x80]  }
0x44: {  	p1 =	slt.u32 s31, $0x2D;
	[tilespmem:s0+$0xFFFFFF90] =	vst v2;
	v2 =	vmul.f32 v4, v0;
	v9 =	vld [tilespmem:s0+$0x90]  }
.Ltmp0:
0x45: {  	[tilespmem:s0+$0xFFFFFFE0] =	vst v1;
	v3 =	vmul.f32 v7, v0;
	v1 =	vld [tilespmem:s0+$0xE0];
	(pc) =	sbr.rel @p1 .LBB2_3-.Ltmp0, $4  }
0x46: {  	[tilespmem:s0+$0x0] =	vst v2;
	v4 =	vmul.f32 v6, v0;
	v2 =	vld [tilespmem:s0+$0xF0]  }
0x47: {  	[tilespmem:s0+$0x10] =	vst v3;
	v7 =	vmul.f32 v5, v0;
	v3 =	vld [tilespmem:s0+$0x100]  }
0x48: {  	[tilespmem:s0+$0x60] =	vst v4;
	v6 =	vmul.f32 v8, v0;
	v4 =	vld [tilespmem:s0+$0x110]  }
0x49: {  	s0 =	sadd.s32 $0x280, s0;
	v5 =	vld [tilespmem:s29+$0xFFFFFFF0];
	[tilespmem:s29+$0x70] =	vst v7;
	v7 =	vmul.f32 v9, v0  }
0x4a: {  	[tilespmem:s29+$0x80] =	vst v6;
	v1 =	vmul.f32 v1, v0  }
0x4b: {  	[tilespmem:s29+$0x90] =	vst v7;
	v2 =	vmul.f32 v2, v0  }
0x4c: {  	[tilespmem:s29+$0xE0] =	vst v1;
	v1 =	vmul.f32 v3, v0  }
0x4d: {  	s0 =	sadd.s32 s6, s30;
	[tilespmem:s29+$0xF0] =	vst v2;
	v2 =	vmul.f32 v4, v0  }
0x4e: {  	s0 =	smul.u32 $0x380, s0;
	v3 =	vmul.f32 v5, v0;
	[tilespmem:s29+$0x100] =	vst v1  }
0x4f: {  	[tilespmem:s29+$0x110] =	vst v2  }
0x50: {  	s0 =	sadd.s32 s5, s0;
	[tilespmem:s29+$0xFFFFFFF0] =	vst v3  }
0x51: {  	[hbm4b:s0+s2] =	stream.linear.scatter [tilespmem:s12], [sflag:$0x5], $0x1900, $0x38;
	[tilespmem:$0x8C80] =	vst v63  }
0x52: {  	s29 =	sor.u32 $0x3, s30;
	s0 =	simm.s32 @!p0 $0x8  }
0x53: {  	s1 =	smul.u32 $0xE0, s29;
	_ =	swait.ge @!p0 [sflag:s0], $0x1900  }
0x54: {  	[sflag:s0] =	ssyncset.done @!p0 $0x0  }
0x55: {  	s1 =	sshra.s32 s1, $0x2;
	[sflag:s0] =	ssyncadd.s32 @!p0 $0xFFFFE700  }
0x56: {  	[tilespmem:s17], [sflag:$0x4] =	stream.indirect.gather [hbm4b:s3+s11], $0x80, s1, s11, $0xb8;
	[tilespmem:$0x8C80] =	vst v63  }
0x57: {  	_ =	swait.ge [sflag:s18], $0x1900  }
0x58: {  	[sflag:s18] =	ssyncset.done $0x0  }
0x59: {  	s31 =	simm.s32 $0x3920;
	[sflag:s18] =	ssyncadd.s32 $0xFFFFE700  }
0x5a: {  	v1 =	vld [tilespmem:s31+$0xFFFFFEE0]  }
0x5b: {  	v2 =	vld [tilespmem:s31+$0xFFFFFEF0]  }
0x5c: {  	v3 =	vld [tilespmem:s31+$0xFFFFFF00]  }
0x5d: {  	v4 =	vld [tilespmem:s31+$0xFFFFFF10]  }
0x5e: {  	v5 =	vld [tilespmem:s31+$0xFFFFFF60]  }
0x5f: {  	v6 =	vld [tilespmem:s31+$0xFFFFFF70];
	v1 =	vmul.f32 v1, v0  }
0x60: {  	v7 =	vld [tilespmem:s31+$0xFFFFFF80];
	v2 =	vmul.f32 v2, v0  }
0x61: {  	[tilespmem:s31+$0xFFFFFEE0] =	vst v1;
	v1 =	vmul.f32 v3, v0;
	v3 =	vld [tilespmem:s31+$0xFFFFFF90]  }
0x62: {  	[tilespmem:s31+$0xFFFFFEF0] =	vst v2;
	v2 =	vmul.f32 v4, v0;
	v4 =	vld [tilespmem:s31+$0xFFFFFFE0]  }
0x63: {  	[tilespmem:s31+$0xFFFFFF00] =	vst v1;
	v1 =	vmul.f32 v5, v0;
	v5 =	vld [tilespmem:s31+$0x0]  }
0x64: {  	[tilespmem:s31+$0xFFFFFF10] =	vst v2;
	v2 =	vmul.f32 v6, v0;
	v6 =	vld [tilespmem:s31+$0x10]  }
0x65: {  	[tilespmem:s31+$0xFFFFFF60] =	vst v1;
	v1 =	vmul.f32 v7, v0;
	v7 =	vld [tilespmem:s31+$0x60]  }
0x66: {  	[tilespmem:s31+$0xFFFFFF70] =	vst v2;
	v2 =	vmul.f32 v3, v0;
	v3 =	vld [tilespmem:s31+$0x70]  }
0x67: {  	v8 =	vld [tilespmem:s31+$0x80];
	[tilespmem:s31+$0xFFFFFF80] =	vst v1;
	v1 =	vmul.f32 v4, v0  }
0x68: {  	v9 =	vld [tilespmem:s31+$0x90];
	[tilespmem:s31+$0xFFFFFF90] =	vst v2;
	v2 =	vmul.f32 v5, v0  }
0x69: {  	v4 =	vmul.f32 v6, v0;
	[tilespmem:s31+$0xFFFFFFE0] =	vst v1;
	v1 =	vld [tilespmem:s31+$0xE0]  }
0x6a: {  	[tilespmem:s31+$0x0] =	vst v2;
	v5 =	vmul.f32 v7, v0;
	v2 =	vld [tilespmem:s31+$0xF0]  }
0x6b: {  	[tilespmem:s31+$0x10] =	vst v4;
	v7 =	vmul.f32 v3, v0;
	v3 =	vld [tilespmem:s31+$0x100]  }
0x6c: {  	v6 =	vmul.f32 v8, v0;
	v4 =	vld [tilespmem:s31+$0x110];
	[tilespmem:s31+$0x60] =	vst v5  }
0x6d: {  	s30 =	sor.u32 $0x1, s30;
	s0 =	simm.s32 $0x0;
	s1 =	simm.s32 $0x3BA0;
	v5 =	vld [tilespmem:s31+$0xFFFFFFF0];
	[tilespmem:s31+$0x70] =	vst v7;
	v7 =	vmul.f32 v9, v0  }
.LBB2_5:
0x6e: {  	v8 =	vld [tilespmem:s1+$0xFFFFFEE0];
	[tilespmem:s31+$0x80] =	vst v6;
	v1 =	vmul.f32 v1, v0  }
0x6f: {  	v6 =	vld [tilespmem:s1+$0xFFFFFEF0];
	[tilespmem:s31+$0x90] =	vst v7;
	v2 =	vmul.f32 v2, v0  }
0x70: {  	v7 =	vld [tilespmem:s1+$0xFFFFFF00];
	[tilespmem:s31+$0xE0] =	vst v1;
	v1 =	vmul.f32 v3, v0  }
0x71: {  	v3 =	vld [tilespmem:s1+$0xFFFFFF10];
	[tilespmem:s31+$0xF0] =	vst v2;
	v2 =	vmul.f32 v4, v0  }
0x72: {  	v4 =	vld [tilespmem:s1+$0xFFFFFF60];
	v5 =	vmul.f32 v5, v0;
	[tilespmem:s31+$0x100] =	vst v1  }
0x73: {  	v1 =	vmul.f32 v8, v0;
	v8 =	vld [tilespmem:s1+$0xFFFFFF70];
	[tilespmem:s31+$0x110] =	vst v2  }
0x74: {  	v2 =	vmul.f32 v6, v0;
	v6 =	vld [tilespmem:s1+$0xFFFFFF80];
	[tilespmem:s31+$0xFFFFFFF0] =	vst v5;
	s31 =	smov.u32 s1  }
0x75: {  	[tilespmem:s1+$0xFFFFFEE0] =	vst v1;
	v1 =	vmul.f32 v7, v0;
	v5 =	vld [tilespmem:s1+$0xFFFFFF90]  }
0x76: {  	[tilespmem:s1+$0xFFFFFEF0] =	vst v2;
	v2 =	vmul.f32 v3, v0;
	v3 =	vld [tilespmem:s1+$0xFFFFFFE0]  }
0x77: {  	[tilespmem:s1+$0xFFFFFF00] =	vst v1;
	v1 =	vmul.f32 v4, v0;
	v4 =	vld [tilespmem:s1+$0x0]  }
0x78: {  	[tilespmem:s1+$0xFFFFFF10] =	vst v2;
	v2 =	vmul.f32 v8, v0;
	v7 =	vld [tilespmem:s1+$0x10]  }
0x79: {  	[tilespmem:s1+$0xFFFFFF60] =	vst v1;
	v1 =	vmul.f32 v6, v0;
	v6 =	vld [tilespmem:s1+$0x60]  }
0x7a: {  	[tilespmem:s1+$0xFFFFFF70] =	vst v2;
	v2 =	vmul.f32 v5, v0;
	v5 =	vld [tilespmem:s1+$0x70]  }
0x7b: {  	s0 =	sadd.s32 $0x5, s0;
	[tilespmem:s1+$0xFFFFFF80] =	vst v1;
	v1 =	vmul.f32 v3, v0;
	v8 =	vld [tilespmem:s1+$0x80]  }
0x7c: {  	p0 =	slt.u32 s0, $0x2D;
	[tilespmem:s1+$0xFFFFFF90] =	vst v2;
	v2 =	vmul.f32 v4, v0;
	v9 =	vld [tilespmem:s1+$0x90]  }
.Ltmp1:
0x7d: {  	[tilespmem:s1+$0xFFFFFFE0] =	vst v1;
	v3 =	vmul.f32 v7, v0;
	v1 =	vld [tilespmem:s1+$0xE0];
	(pc) =	sbr.rel @p0 .LBB2_5-.Ltmp1, $4  }
0x7e: {  	[tilespmem:s1+$0x0] =	vst v2;
	v4 =	vmul.f32 v6, v0;
	v2 =	vld [tilespmem:s1+$0xF0]  }
0x7f: {  	[tilespmem:s1+$0x10] =	vst v3;
	v7 =	vmul.f32 v5, v0;
	v3 =	vld [tilespmem:s1+$0x100]  }
0x80: {  	[tilespmem:s1+$0x60] =	vst v4;
	v6 =	vmul.f32 v8, v0;
	v4 =	vld [tilespmem:s1+$0x110]  }
0x81: {  	s1 =	sadd.s32 $0x280, s1;
	v5 =	vld [tilespmem:s31+$0xFFFFFFF0];
	[tilespmem:s31+$0x70] =	vst v7;
	v7 =	vmul.f32 v9, v0  }
0x82: {  	[tilespmem:s31+$0x80] =	vst v6;
	v1 =	vmul.f32 v1, v0  }
0x83: {  	[tilespmem:s31+$0x90] =	vst v7;
	v2 =	vmul.f32 v2, v0  }
0x84: {  	[tilespmem:s31+$0xE0] =	vst v1;
	v1 =	vmul.f32 v3, v0  }
0x85: {  	s0 =	sadd.s32 s6, s30;
	[tilespmem:s31+$0xF0] =	vst v2;
	v2 =	vmul.f32 v4, v0  }
0x86: {  	s0 =	smul.u32 $0x380, s0;
	v3 =	vmul.f32 v5, v0;
	[tilespmem:s31+$0x100] =	vst v1  }
0x87: {  	[tilespmem:s31+$0x110] =	vst v2  }
0x88: {  	p0 =	seq.s32 s26, $0x1F;
	s0 =	sadd.s32 s5, s0;
	[tilespmem:s31+$0xFFFFFFF0] =	vst v3  }
0x89: {  	[hbm4b:s0+s2] =	stream.linear.scatter [tilespmem:s14], [sflag:$0x6], $0x1900, $0x38;
	[tilespmem:$0x8C80] =	vst v63  }
0x8a: {  	s0 =	smul.u32 @!p0 $0x380, s26  }
0x8b: {  	_ =	swait.ge [sflag:s19], $0x1900  }
0x8c: {  	s1 =	simm.s32 @!p0 $0x32;
	[sflag:s19] =	ssyncset.done $0x0;
	s30 =	sshra.s32 @!p0 s0, $0x2  }
0x8d: {  	s31 =	simm.s32 @!p0 $0x1C00;
	[sflag:s19] =	ssyncadd.s32 $0xFFFFE700;
	s0 =	sadd.s32 @!p0 $0xE0, s30  }
0x8e: {  	[tilespmem:s31], [sflag:$0x1] =	stream.indirect.gather @!p0 [hbm4b:s3+s1], $0x80, s0, s1, $0xb8;
	[tilespmem:$0x8C80] =	vst v63  }
0x8f: {  	_ =	swait.ge [sflag:s20], $0x1900  }
0x90: {  	[sflag:s20] =	ssyncset.done $0x0  }
0x91: {  	s31 =	simm.s32 $0x5520;
	[sflag:s20] =	ssyncadd.s32 $0xFFFFE700  }
0x92: {  	v1 =	vld [tilespmem:s31+$0xFFFFFEE0]  }
0x93: {  	v2 =	vld [tilespmem:s31+$0xFFFFFEF0]  }
0x94: {  	v3 =	vld [tilespmem:s31+$0xFFFFFF00]  }
0x95: {  	v4 =	vld [tilespmem:s31+$0xFFFFFF10]  }
0x96: {  	v5 =	vld [tilespmem:s31+$0xFFFFFF60]  }
0x97: {  	v6 =	vld [tilespmem:s31+$0xFFFFFF70];
	v1 =	vmul.f32 v1, v0  }
0x98: {  	v7 =	vld [tilespmem:s31+$0xFFFFFF80];
	v2 =	vmul.f32 v2, v0  }
0x99: {  	[tilespmem:s31+$0xFFFFFEE0] =	vst v1;
	v1 =	vmul.f32 v3, v0;
	v3 =	vld [tilespmem:s31+$0xFFFFFF90]  }
0x9a: {  	[tilespmem:s31+$0xFFFFFEF0] =	vst v2;
	v2 =	vmul.f32 v4, v0;
	v4 =	vld [tilespmem:s31+$0xFFFFFFE0]  }
0x9b: {  	[tilespmem:s31+$0xFFFFFF00] =	vst v1;
	v1 =	vmul.f32 v5, v0;
	v5 =	vld [tilespmem:s31+$0x0]  }
0x9c: {  	[tilespmem:s31+$0xFFFFFF10] =	vst v2;
	v2 =	vmul.f32 v6, v0;
	v6 =	vld [tilespmem:s31+$0x10]  }
0x9d: {  	[tilespmem:s31+$0xFFFFFF60] =	vst v1;
	v1 =	vmul.f32 v7, v0;
	v7 =	vld [tilespmem:s31+$0x60]  }
0x9e: {  	[tilespmem:s31+$0xFFFFFF70] =	vst v2;
	v2 =	vmul.f32 v3, v0;
	v3 =	vld [tilespmem:s31+$0x70]  }
0x9f: {  	v8 =	vld [tilespmem:s31+$0x80];
	[tilespmem:s31+$0xFFFFFF80] =	vst v1;
	v1 =	vmul.f32 v4, v0  }
0xa0: {  	v9 =	vld [tilespmem:s31+$0x90];
	[tilespmem:s31+$0xFFFFFF90] =	vst v2;
	v2 =	vmul.f32 v5, v0  }
0xa1: {  	v4 =	vmul.f32 v6, v0;
	[tilespmem:s31+$0xFFFFFFE0] =	vst v1;
	v1 =	vld [tilespmem:s31+$0xE0]  }
0xa2: {  	[tilespmem:s31+$0x0] =	vst v2;
	v5 =	vmul.f32 v7, v0;
	v2 =	vld [tilespmem:s31+$0xF0]  }
0xa3: {  	[tilespmem:s31+$0x10] =	vst v4;
	v7 =	vmul.f32 v3, v0;
	v3 =	vld [tilespmem:s31+$0x100]  }
0xa4: {  	v6 =	vmul.f32 v8, v0;
	v4 =	vld [tilespmem:s31+$0x110];
	[tilespmem:s31+$0x60] =	vst v5  }
0xa5: {  	s0 =	simm.s32 $0x0;
	s1 =	simm.s32 $0x57A0;
	v5 =	vld [tilespmem:s31+$0xFFFFFFF0];
	[tilespmem:s31+$0x70] =	vst v7;
	v7 =	vmul.f32 v9, v0  }
.LBB2_7:
0xa6: {  	v8 =	vld [tilespmem:s1+$0xFFFFFEE0];
	[tilespmem:s31+$0x80] =	vst v6;
	v1 =	vmul.f32 v1, v0  }
0xa7: {  	v6 =	vld [tilespmem:s1+$0xFFFFFEF0];
	[tilespmem:s31+$0x90] =	vst v7;
	v2 =	vmul.f32 v2, v0  }
0xa8: {  	v7 =	vld [tilespmem:s1+$0xFFFFFF00];
	[tilespmem:s31+$0xE0] =	vst v1;
	v1 =	vmul.f32 v3, v0  }
0xa9: {  	v3 =	vld [tilespmem:s1+$0xFFFFFF10];
	[tilespmem:s31+$0xF0] =	vst v2;
	v2 =	vmul.f32 v4, v0  }
0xaa: {  	v4 =	vld [tilespmem:s1+$0xFFFFFF60];
	v5 =	vmul.f32 v5, v0;
	[tilespmem:s31+$0x100] =	vst v1  }
0xab: {  	v1 =	vmul.f32 v8, v0;
	v8 =	vld [tilespmem:s1+$0xFFFFFF70];
	[tilespmem:s31+$0x110] =	vst v2  }
0xac: {  	v2 =	vmul.f32 v6, v0;
	v6 =	vld [tilespmem:s1+$0xFFFFFF80];
	[tilespmem:s31+$0xFFFFFFF0] =	vst v5;
	s31 =	smov.u32 s1  }
0xad: {  	[tilespmem:s1+$0xFFFFFEE0] =	vst v1;
	v1 =	vmul.f32 v7, v0;
	v5 =	vld [tilespmem:s1+$0xFFFFFF90]  }
0xae: {  	[tilespmem:s1+$0xFFFFFEF0] =	vst v2;
	v2 =	vmul.f32 v3, v0;
	v3 =	vld [tilespmem:s1+$0xFFFFFFE0]  }
0xaf: {  	[tilespmem:s1+$0xFFFFFF00] =	vst v1;
	v1 =	vmul.f32 v4, v0;
	v4 =	vld [tilespmem:s1+$0x0]  }
0xb0: {  	[tilespmem:s1+$0xFFFFFF10] =	vst v2;
	v2 =	vmul.f32 v8, v0;
	v7 =	vld [tilespmem:s1+$0x10]  }
0xb1: {  	[tilespmem:s1+$0xFFFFFF60] =	vst v1;
	v1 =	vmul.f32 v6, v0;
	v6 =	vld [tilespmem:s1+$0x60]  }
0xb2: {  	[tilespmem:s1+$0xFFFFFF70] =	vst v2;
	v2 =	vmul.f32 v5, v0;
	v5 =	vld [tilespmem:s1+$0x70]  }
0xb3: {  	s0 =	sadd.s32 $0x5, s0;
	[tilespmem:s1+$0xFFFFFF80] =	vst v1;
	v1 =	vmul.f32 v3, v0;
	v8 =	vld [tilespmem:s1+$0x80]  }
0xb4: {  	p1 =	slt.u32 s0, $0x2D;
	[tilespmem:s1+$0xFFFFFF90] =	vst v2;
	v2 =	vmul.f32 v4, v0;
	v9 =	vld [tilespmem:s1+$0x90]  }
.Ltmp2:
0xb5: {  	[tilespmem:s1+$0xFFFFFFE0] =	vst v1;
	v3 =	vmul.f32 v7, v0;
	v1 =	vld [tilespmem:s1+$0xE0];
	(pc) =	sbr.rel @p1 .LBB2_7-.Ltmp2, $4  }
0xb6: {  	[tilespmem:s1+$0x0] =	vst v2;
	v4 =	vmul.f32 v6, v0;
	v2 =	vld [tilespmem:s1+$0xF0]  }
0xb7: {  	[tilespmem:s1+$0x10] =	vst v3;
	v7 =	vmul.f32 v5, v0;
	v3 =	vld [tilespmem:s1+$0x100]  }
0xb8: {  	[tilespmem:s1+$0x60] =	vst v4;
	v6 =	vmul.f32 v8, v0;
	v4 =	vld [tilespmem:s1+$0x110]  }
0xb9: {  	s1 =	sadd.s32 $0x280, s1;
	v5 =	vld [tilespmem:s31+$0xFFFFFFF0];
	[tilespmem:s31+$0x70] =	vst v7;
	v7 =	vmul.f32 v9, v0  }
0xba: {  	[tilespmem:s31+$0x80] =	vst v6;
	v1 =	vmul.f32 v1, v0  }
0xbb: {  	[tilespmem:s31+$0x90] =	vst v7;
	v2 =	vmul.f32 v2, v0  }
0xbc: {  	[tilespmem:s31+$0xE0] =	vst v1;
	v1 =	vmul.f32 v3, v0  }
0xbd: {  	s0 =	sadd.s32 s6, s28;
	[tilespmem:s31+$0xF0] =	vst v2;
	v2 =	vmul.f32 v4, v0  }
0xbe: {  	s0 =	smul.u32 $0x380, s0;
	v3 =	vmul.f32 v5, v0;
	[tilespmem:s31+$0x100] =	vst v1  }
0xbf: {  	[tilespmem:s31+$0x110] =	vst v2  }
0xc0: {  	s0 =	sadd.s32 s5, s0;
	[tilespmem:s31+$0xFFFFFFF0] =	vst v3  }
0xc1: {  	[hbm4b:s0+s2] =	stream.linear.scatter [tilespmem:s15], [sflag:$0x7], $0x1900, $0x38;
	[tilespmem:$0x8C80] =	vst v63  }
0xc2: {  	_ =	swait.ge [sflag:s21], $0x1900  }
0xc3: {  	s1 =	simm.s32 @!p0 $0x32;
	[sflag:s21] =	ssyncset.done $0x0  }
0xc4: {  	s28 =	simm.s32 @!p0 $0x3800;
	s0 =	sadd.s32 @!p0 $0x118, s30;
	[sflag:s21] =	ssyncadd.s32 $0xFFFFE700  }
0xc5: {  	[tilespmem:s28], [sflag:$0x2] =	stream.indirect.gather @!p0 [hbm4b:s3+s1], $0x80, s0, s1, $0xb8;
	[tilespmem:$0x8C80] =	vst v63  }
0xc6: {  	_ =	swait.ge [sflag:s22], $0x1900  }
0xc7: {  	[sflag:s22] =	ssyncset.done $0x0  }
0xc8: {  	s28 =	simm.s32 $0x7120;
	[sflag:s22] =	ssyncadd.s32 $0xFFFFE700  }
0xc9: {  	v1 =	vld [tilespmem:s28+$0xFFFFFEE0]  }
0xca: {  	v2 =	vld [tilespmem:s28+$0xFFFFFEF0]  }
0xcb: {  	v3 =	vld [tilespmem:s28+$0xFFFFFF00]  }
0xcc: {  	v4 =	vld [tilespmem:s28+$0xFFFFFF10]  }
0xcd: {  	v5 =	vld [tilespmem:s28+$0xFFFFFF60]  }
0xce: {  	v6 =	vld [tilespmem:s28+$0xFFFFFF70];
	v1 =	vmul.f32 v1, v0  }
0xcf: {  	v7 =	vld [tilespmem:s28+$0xFFFFFF80];
	v2 =	vmul.f32 v2, v0  }
0xd0: {  	[tilespmem:s28+$0xFFFFFEE0] =	vst v1;
	v1 =	vmul.f32 v3, v0;
	v3 =	vld [tilespmem:s28+$0xFFFFFF90]  }
0xd1: {  	[tilespmem:s28+$0xFFFFFEF0] =	vst v2;
	v2 =	vmul.f32 v4, v0;
	v4 =	vld [tilespmem:s28+$0xFFFFFFE0]  }
0xd2: {  	[tilespmem:s28+$0xFFFFFF00] =	vst v1;
	v1 =	vmul.f32 v5, v0;
	v5 =	vld [tilespmem:s28+$0x0]  }
0xd3: {  	[tilespmem:s28+$0xFFFFFF10] =	vst v2;
	v2 =	vmul.f32 v6, v0;
	v6 =	vld [tilespmem:s28+$0x10]  }
0xd4: {  	[tilespmem:s28+$0xFFFFFF60] =	vst v1;
	v1 =	vmul.f32 v7, v0;
	v7 =	vld [tilespmem:s28+$0x60]  }
0xd5: {  	[tilespmem:s28+$0xFFFFFF70] =	vst v2;
	v2 =	vmul.f32 v3, v0;
	v3 =	vld [tilespmem:s28+$0x70]  }
0xd6: {  	v8 =	vld [tilespmem:s28+$0x80];
	[tilespmem:s28+$0xFFFFFF80] =	vst v1;
	v1 =	vmul.f32 v4, v0  }
0xd7: {  	v9 =	vld [tilespmem:s28+$0x90];
	[tilespmem:s28+$0xFFFFFF90] =	vst v2;
	v2 =	vmul.f32 v5, v0  }
0xd8: {  	v4 =	vmul.f32 v6, v0;
	[tilespmem:s28+$0xFFFFFFE0] =	vst v1;
	v1 =	vld [tilespmem:s28+$0xE0]  }
0xd9: {  	[tilespmem:s28+$0x0] =	vst v2;
	v5 =	vmul.f32 v7, v0;
	v2 =	vld [tilespmem:s28+$0xF0]  }
0xda: {  	[tilespmem:s28+$0x10] =	vst v4;
	v7 =	vmul.f32 v3, v0;
	v3 =	vld [tilespmem:s28+$0x100]  }
0xdb: {  	v6 =	vmul.f32 v8, v0;
	v4 =	vld [tilespmem:s28+$0x110];
	[tilespmem:s28+$0x60] =	vst v5  }
0xdc: {  	s0 =	simm.s32 $0x0;
	s1 =	simm.s32 $0x73A0;
	v5 =	vld [tilespmem:s28+$0xFFFFFFF0];
	[tilespmem:s28+$0x70] =	vst v7;
	v7 =	vmul.f32 v9, v0  }
.LBB2_9:
0xdd: {  	v8 =	vld [tilespmem:s1+$0xFFFFFEE0];
	[tilespmem:s28+$0x80] =	vst v6;
	v1 =	vmul.f32 v1, v0  }
0xde: {  	v6 =	vld [tilespmem:s1+$0xFFFFFEF0];
	[tilespmem:s28+$0x90] =	vst v7;
	v2 =	vmul.f32 v2, v0  }
0xdf: {  	v7 =	vld [tilespmem:s1+$0xFFFFFF00];
	[tilespmem:s28+$0xE0] =	vst v1;
	v1 =	vmul.f32 v3, v0  }
0xe0: {  	v3 =	vld [tilespmem:s1+$0xFFFFFF10];
	[tilespmem:s28+$0xF0] =	vst v2;
	v2 =	vmul.f32 v4, v0  }
0xe1: {  	v4 =	vld [tilespmem:s1+$0xFFFFFF60];
	v5 =	vmul.f32 v5, v0;
	[tilespmem:s28+$0x100] =	vst v1  }
0xe2: {  	v1 =	vmul.f32 v8, v0;
	v8 =	vld [tilespmem:s1+$0xFFFFFF70];
	[tilespmem:s28+$0x110] =	vst v2  }
0xe3: {  	v2 =	vmul.f32 v6, v0;
	v6 =	vld [tilespmem:s1+$0xFFFFFF80];
	[tilespmem:s28+$0xFFFFFFF0] =	vst v5;
	s28 =	smov.u32 s1  }
0xe4: {  	[tilespmem:s1+$0xFFFFFEE0] =	vst v1;
	v1 =	vmul.f32 v7, v0;
	v5 =	vld [tilespmem:s1+$0xFFFFFF90]  }
0xe5: {  	[tilespmem:s1+$0xFFFFFEF0] =	vst v2;
	v2 =	vmul.f32 v3, v0;
	v3 =	vld [tilespmem:s1+$0xFFFFFFE0]  }
0xe6: {  	[tilespmem:s1+$0xFFFFFF00] =	vst v1;
	v1 =	vmul.f32 v4, v0;
	v4 =	vld [tilespmem:s1+$0x0]  }
0xe7: {  	[tilespmem:s1+$0xFFFFFF10] =	vst v2;
	v2 =	vmul.f32 v8, v0;
	v7 =	vld [tilespmem:s1+$0x10]  }
0xe8: {  	[tilespmem:s1+$0xFFFFFF60] =	vst v1;
	v1 =	vmul.f32 v6, v0;
	v6 =	vld [tilespmem:s1+$0x60]  }
0xe9: {  	[tilespmem:s1+$0xFFFFFF70] =	vst v2;
	v2 =	vmul.f32 v5, v0;
	v5 =	vld [tilespmem:s1+$0x70]  }
0xea: {  	s0 =	sadd.s32 $0x5, s0;
	[tilespmem:s1+$0xFFFFFF80] =	vst v1;
	v1 =	vmul.f32 v3, v0;
	v8 =	vld [tilespmem:s1+$0x80]  }
0xeb: {  	p0 =	slt.u32 s0, $0x2D;
	[tilespmem:s1+$0xFFFFFF90] =	vst v2;
	v2 =	vmul.f32 v4, v0;
	v9 =	vld [tilespmem:s1+$0x90]  }
.Ltmp3:
0xec: {  	[tilespmem:s1+$0xFFFFFFE0] =	vst v1;
	v3 =	vmul.f32 v7, v0;
	v1 =	vld [tilespmem:s1+$0xE0];
	(pc) =	sbr.rel @p0 .LBB2_9-.Ltmp3, $4  }
0xed: {  	[tilespmem:s1+$0x0] =	vst v2;
	v4 =	vmul.f32 v6, v0;
	v2 =	vld [tilespmem:s1+$0xF0]  }
0xee: {  	[tilespmem:s1+$0x10] =	vst v3;
	v7 =	vmul.f32 v5, v0;
	v3 =	vld [tilespmem:s1+$0x100]  }
0xef: {  	[tilespmem:s1+$0x60] =	vst v4;
	v6 =	vmul.f32 v8, v0;
	v4 =	vld [tilespmem:s1+$0x110]  }
0xf0: {  	s1 =	sadd.s32 $0x280, s1;
	v5 =	vld [tilespmem:s28+$0xFFFFFFF0];
	[tilespmem:s28+$0x70] =	vst v7;
	v7 =	vmul.f32 v9, v0  }
0xf1: {  	[tilespmem:s28+$0x80] =	vst v6;
	v1 =	vmul.f32 v1, v0  }
0xf2: {  	s26 =	sadd.s32 $0x1, s26;
	[tilespmem:s28+$0x90] =	vst v7;
	v2 =	vmul.f32 v2, v0  }
0xf3: {  	p0 =	sne.s32 s26, $0x20;
	[tilespmem:s28+$0xE0] =	vst v1;
	v1 =	vmul.f32 v3, v0  }
.Ltmp4:
0xf4: {  	s0 =	sadd.s32 s6, s29;
	[tilespmem:s28+$0xF0] =	vst v2;
	v2 =	vmul.f32 v4, v0;
	(pc) =	sbr.rel @p0 .LBB2_2-.Ltmp4, $4  }
0xf5: {  	s0 =	smul.u32 $0x380, s0;
	v3 =	vmul.f32 v5, v0;
	[tilespmem:s28+$0x100] =	vst v1  }
0xf6: {  	[tilespmem:s28+$0x110] =	vst v2  }
0xf7: {  	s0 =	sadd.s32 s5, s0;
	[tilespmem:s28+$0xFFFFFFF0] =	vst v3  }
0xf8: {  	[hbm4b:s0+s2] =	stream.linear.scatter [tilespmem:s17], [sflag:$0x8], $0x1900, $0x38;
	[tilespmem:$0x8C80] =	vst v63  }
0xf9: {  	s25 =	sadd.s32 $0x1, s25  }
0xfa: {  	_ =	swait.ge [sflag:s23], $0x1900;
	p0 =	sne.s32 s25, s8  }
.Ltmp5:
0xfb: {  	[sflag:s23] =	ssyncset.done $0x0;
	(pc) =	sbr.rel @p0 .LBB2_1-.Ltmp5, $4  }
0xfc: {  	[sflag:s23] =	ssyncadd.s32 $0xFFFFE700  }
0xfd: {  	_ =	swait.ge [sflag:s24], $0x1900  }
0xfe: {  	[sflag:s24] =	ssyncset.done $0x0  }
0xff: {  	[sflag:s24] =	ssyncadd.s32 $0xFFFFE700  }
0x100: {  	_ =	sfence.sel $0x180000  }
0x101: {  	[bflag:$0x0] =	sbarrier.arrive $0xFFFF  }
0x102: {  	_ =	strace $0x90000047  }
0x103: {  	s0 =	stileid.u32;
	[bflag:$0x2] =	sbarrier.arrive $0xFFFF  }
0x104: {  	p0 =	sne.s32 s0, $0x0;
	s0 =	rddreg [dreg:$0x2]  }
0x105: {  	s0 =	sadd.s32 @!p0 $0x100000, s0  }
0x106: {  	[sflag:s0] =	ssyncadd.tile.s32 @!p0 $0x1;
	_ =	shalt  }
.Lfunc_end2:
_tile_overlayer_lowered:
.L_overlay_start_2:
0x107: {  	(tag) =	ssettag $0x2  }
0x108: {  	s0 =	rddreg [dreg:$0x0];
	s2 =	stileid.u32  }
0x109: {  	s1 =	rddreg [dreg:$0x1];
	p0 =	sne.s32 s2, $0x0  }
0x10a: {  	s3 =	rddreg [dreg:$0x2];
	[bflag:$0x3] =	sbarrier.arrive $0xFFFF;
	s2 =	simm.s32 @!p0 $0x1C09  }
0x10b: {  	[timem:s3], [sflag:s2] =	dma.local @!p0 [hbm:s0], s1  }
0x10c: {  	s0 =	simm.s32 @!p0 $0x9  }
0x10d: {  	_ =	swait.ge @!p0 [sflag:s0], s1  }
0x10e: {  	s1 =	ssub.s32 @!p0 $0x0, s1;
	[sflag:s0] =	ssyncset.done @!p0 $0x0  }
0x10f: {  	[sflag:s0] =	ssyncadd.s32 @!p0 s1  }
0x110: {  	[bflag:$0x3] =	sbarrier.arrive $0xFFFF  }
0x111: {  	_ =	shalt  }

// kernel: sparse-core-data-format-call.cloned.1.call-start
scs
called_computation_lowered:
.L_overlay_start_0:
0x0: {  	s2 =	sld [smem:$0x3FD9]  }
0x1: {  	s3 =	sld [smem:$0x3FFE];
	_ =	sdelay $0x1  }
0x2: {  	s1 =	srdreg.scid  }
0x3: {  	s0 =	sand.u32 $0x1, s1  }
0x4: {  	s18 =	sshll.u32 s0, $0xA;
	s2 =	sadd.s32 s3, s2  }
0x5: {  	s2 =	sadd.s32 s2, s18  }
0x6: {  	[smem:$0x3FC6] =	sst s2  }
0x7: {  	_ = 	snop  }
0x8: {  	s2 =	sld [smem:$0x3FD0];
	(tm) =	ssettm $0x1  }
0x9: {  	s19 =	sld [smem:$0x3FFB];
	_ =	sdelay $0x3  }
0xa: {  	_ =	strace s19  }
0xb: {  	s3 =	sld [smem:$0x3FFC];
	_ =	sdelay $0x3  }
0xc: {  	_ =	strace s3  }
0xd: {  	s3 =	sld [smem:$0x3FFD];
	_ =	sdelay $0x3  }
0xe: {  	_ =	strace s3  }
0xf: {  	_ =	strace $0x8FFFFFFF  }
0x10: {  	s20 =	sld [smem:$0x3FDB];
	_ =	sdelay $0x1  }
0x11: {  	s4 =	simm.s32 $_scs_section_size  }
0x12: {  	s5 =	simm.s32 $_size__tile_overlayer_lowered;
	s6 =	simm.s32 $_tile_overlayer_lowered  }
0x13: {  	s23 =	simm.s32 $0x1BFF;
	s22 =	sshll.u32 s6, $0x1;
	s3 =	sadd.s32 s4, s20  }
0x14: {  	s7 =	simm.s32 $0x0;
	s21 =	sshll.u32 s5, $0x1;
	s5 =	sadd.s32 s22, s3  }
0x15: {  	[timem:s7], [sflag:s23] =	dma.local [hbm:s5], s21  }
0x16: {  	_ =	swait.ge [sflag:s23], s21  }
0x17: {  	s4 =	ssub.s32 $0x0, s21;
	[sflag:s23] =	ssyncset.done $0x0  }
0x18: {  	[sflag:s23] =	ssyncadd.s32 s4;
	_ =	sdelay $0x1  }
0x19: {  	s24 =	simm.s32 $0x1B8B  }
0x1a: {  	_ =	swait.ge [sflag:s24], $0x1  }
0x1b: {  	[sflag:s24] =	ssyncset.done $0x0  }
0x1c: {  	s26 =	simm.s32 $0x1B8E;
	s25 =	sld [smem:$0x3FFE];
	[sflag:s24] =	ssyncadd.s32 $0xFFFFFFFF  }
0x1d: {  	s27 =	simm.s32 $execute0_lowered;
	[smem:$0x3FD2] =	sst s26  }
0x1e: {  	s5 =	sshll.u32 s27, $0x1;
	_ =	strace $0x80000049;
	[dreg:$0x1] =	wrdreg $0xFFFFFFFF  }
0x1f: {  	s28 =	simm.s32 $_size_execute0_lowered;
	s3 =	sadd.s32 s3, s5;
	[dreg:$0x0] =	wrdreg $0x0  }
0x20: {  	s5 =	sshll.u32 s28, $0x1;
	[dreg:$0x2] =	wrdreg s3  }
0x21: {  	[dreg:$0x3] =	wrdreg s5  }
0x22: {  	[dreg:$0x4] =	wrdreg $0xC0  }
0x23: {  	_ =	task [dreg:s7], $0x5FFFF  }
0x24: {  	[dreg:$0x1] =	wrdreg $0xFFFFFFFF  }
0x25: {  	[dreg:$0x0] =	wrdreg $0x60  }
0x26: {  	[dreg:$0x2] =	wrdreg s25  }
0x27: {  	[dreg:$0x3] =	wrdreg s2  }
0x28: {  	[dreg:$0x4] =	wrdreg $0x9  }
0x29: {  	_ =	task.clear_ibuf [dreg:s7], $0x5FFFF;
	_ =	strace $0x90000049  }
0x2a: {  	s29 =	simm.s32 $0x9;
	_ =	strace $0x8000004B  }
0x2b: {  	_ =	swait.ge [sflag:s29], $0x1  }
0x2c: {  	[sflag:s29] =	ssyncadd.s32 $0xFFFFFFFF  }
0x2d: {  	_ =	strace $0x9000004B  }
0x2e: {  	_ =	sfence  }
0x2f: {  	s30 =	sld [smem:$0x0];
	_ =	sdelay $0x2  }
0x30: {  	s31 =	sshll.u32 s1, $0xD;
	s1 =	sshrl.u32 s1, $0x2  }
0x31: {  	s3 =	sand.u32 $0x4000, s31;
	s1 =	sadd.s32 s1, s30  }
0x32: {  	s0 =	sor.u32 s3, s0;
	s1 =	sshll.u32 s1, $0x11  }
0x33: {  	s0 =	sor.u32 s1, s0  }
0x34: {  	s0 =	sadd.s32 $0x8F2B, s0  }
0x35: {  	[sflag:s0] =	ssyncadd.remote.s32 $0x1  }
0x36: {  	_ =	sfence.sel $0xFFFF  }
0x37: {  	[dreg:$0x0] =	wrdreg $0xFFFFFFFF;
	(pc) =	sbr.abs _section_cstart, $3  }
0x38: {  	[dreg:$0x1] =	wrdreg $0xFFFFFFFF  }
0x39: {  	_ =	task.clear_ibuf [dreg:s7], $0x2FFFF;
	_ =	strace $0x9FFFFFFF  }
0x3a: {  	(tm) =	ssettm $0x7FFFFFFF  }
0x3b: {  	_ =	shalt  }
tec
execute0_lowered:
.L_overlay_start_1:
0x0: {  	(tag) =	ssettag $0x1  }
0x1: {  	s0 =	srdreg.scid  }
0x2: {  	s1 =	sshll.u32 s0, $0x4  }
0x3: {  	s0 =	stileid.u32;
	s1 =	sand.u32 $0x10, s1  }
0x4: {  	s1 =	sor.u32 s0, s1  }
0x5: {  	s6 =	rddreg [dreg:$0x0];
	s4 =	simm.s32 $0x1;
	s2 =	sshll.u32 s1, $0x7  }
0x6: {  	s7 =	simm.s32 $0x2;
	s12 =	simm.s32 $0x0;
	s1 =	ssub.s32 $0x1000, s2  }
0x7: {  	s8 =	simm.s32 $0x8000;
	s13 =	simm.s32 $0x0;
	s3 =	sand.u32 $0xF80, s1  }
0x8: {  	s9 =	simm.s32 $0x0;
	s5 =	sshrl.u32 s1, $0xC;
	p0 =	sne.s32 s3, $0x0  }
.Ltmp0:
0x9: {  	s1 =	rddreg [dreg:$0x2];
	s4 =	simm.s32 @!p0 $0x0;
	(pc) =	sbr.rel .LBB1_1-.Ltmp0, $4  }
0xa: {  	s11 =	simm.s32 $0x0;
	s3 =	rddreg [dreg:$0x1];
	s5 =	sadd.s32 s4, s5  }
0xb: {  	_ =	strace $0x8000004A;
	s4 =	simm.s32 $0x1;
	s5 =	smul.u32 $0x32, s5  }
0xc: {  	s6 =	sadd.s32 $0xC00, s6;
	s10 =	smov.u32 s2;
	[sflag:s4] =	ssyncpa.u1 $0x0  }
0xd: {  	p0 =	por $0x0, $0x0;
	[sflag:s7] =	ssyncpa.u1 $0x0;
	s7 =	sor.u32 $0x1, s5  }
.LBB1_4:
0xe: {  	s16 =	sshll.u32 s13, $0x3;
	s17 =	sand.u32 $0x78, s13  }
0xf: {  	s30 =	sand.u32 $0x7E00, s13;
	s12 =	sshll.u32 s12, $0xF;
	s16 =	sand.u32 $0xC00, s16  }
0x10: {  	[tilespmem:s15+$0x810 ss:$0x81] =	vst.msk $0xffff, v2;
	s31 =	sand.u32 $0x7, s13;
	s16 =	sor.u32 s17, s16;
	s17 =	sadd.s32 s3, s30  }
0x11: {  	[tilespmem:s15+$0x1020 ss:$0x81] =	vst.msk $0xffff, v0;
	s13 =	sshll.u32 s31, $0x12;
	s12 =	sadd.s32 s12, s17;
	s16 =	sshrl.u32 s16, $0x3  }
0x12: {  	[tilespmem:s15+$0x0 ss:$0x81] =	vst.msk $0xffff, v1;
	s13 =	sor.u32 $0x400, s13;
	s12 =	sadd.s32 s16, s12  }
0x13: {  	[hbm4b:s12+s13] =	stream.strided.scatter [tilespmem:s14], [sflag:$0x2], $0x2000, s8, s13, $0x20;
	[tilespmem:$0x8080] =	vst v63  }
.LBB1_5:
0x14: {  	s14 =	sadd.s32 $0x1, s9  }
0x15: {  	s12 =	sadd.s32 $0x1000, s10;
	s16 =	smov.u32 s10;
	p2 =	sgt.s32 s14, $0x31  }
0x16: {  	s16 =	smov.u32 @p2 s12  }
0x17: {  	s14 =	simm.s32 @p2 $0x0;
	p2 =	sgt.s32 s16, $0xFFF  }
0x18: {  	s16 =	smov.u32 @p2 s2;
	p2 =	sne.s32 s11, s7  }
.Ltmp1:
0x19: {  	p1 =	slt.u32 s11, $0x2;
	(pc) =	sbr.rel @!p2 .LBB1_6-.Ltmp1, $4  }
0x1a: {  	s15 =	simm.s32 @!p1 $0x2  }
0x1b: {  	s13 =	smov.u32 s10;
	p0 =	por !p0, !p0;
	_ =	swait.ge @!p1 [sflag:s15], $0x2000  }
0x1c: {  	s12 =	smov.u32 s9;
	[sflag:s15] =	ssyncset.done @!p1 $0x0;
	s9 =	smov.u32 s14  }
0x1d: {  	s11 =	sadd.s32 $0x1, s11;
	[sflag:s15] =	ssyncadd.s32 @!p1 $0xFFFFE000;
	s10 =	smov.u32 s16  }
.LBB1_1:
0x1e: {  	p1 =	sge.u32 s11, s5  }
0x1f: {  	s14 =	sand.u32 @!p1 $0x1FFFFFF, s9  }
0x20: {  	s15 =	smulhi.u32 @!p1 $0x4924925, s14;
	_ =	sdelay $0x1  }
0x21: {  	s15 =	smul.u32 @!p1 $0x38, s15  }
0x22: {  	s16 =	sxor.u32 @!p1 $0xFFFFFFFF, s11;
	s17 =	smul.u32 @!p1 $0x380, s10  }
0x23: {  	s31 =	sadd.s32 $0xFFFFFFFF, s11;
	s16 =	sshll.u32 @!p1 s16, $0xD;
	s14 =	ssub.s32 @!p1 s14, s15  }
0x24: {  	s15 =	sand.u32 @!p1 $0x2000, s16;
	s16 =	sadd.s32 @!p1 s6, s17;
	s14 =	sshll.u32 @!p1 s14, $0x4  }
0x25: {  	s17 =	simm.s32 @!p1 $0x1C00;
	s14 =	sadd.s32 @!p1 s14, s16;
	s16 =	simm.s32 @!p1 $0x40  }
0x26: {  	[tilespmem:s15], [sflag:$0x1] =	stream.strided.gather @!p1 [hbm4b:s14+s16], $0x2000, s17, s16, $0x38;
	[tilespmem:$0x8080] =	vst v63  }
0x27: {  	p1 =	sge.u32 s31, s5  }
.Ltmp2:
0x28: {  	_ = 	snop;
	(pc) =	sbr.rel @p1 .LBB1_5-.Ltmp2, $1  }
0x29: {  	_ =	sdelay $0x3  }
0x2a: {  	s14 =	simm.s32 $0x1  }
0x2b: {  	_ =	swait.ge [sflag:s4], $0x2000;
	s14 =	simm.s32 @!p0 $0x0  }
0x2c: {  	[sflag:s4] =	ssyncset.done $0x0;
	s15 =	sshll.u32 s14, $0xD  }
0x2d: {  	[sflag:s4] =	ssyncadd.s32 $0xFFFFE000;
	s18 =	sor.u32 $0x20, s15  }
0x2e: {  	s14 =	smul.u32 $0x8100, s14;
	v3 =	vld [tilespmem:s18+$0x10]  }
0x2f: {  	s30 =	sand.u32 $0x1, s11;
	v2 =	vld [tilespmem:s18+$0xFFFFFFF0]  }
0x30: {  	s15 =	smul.u32 $0x8100, s30;
	s14 =	sshrl.u32 s14, $0x2;
	v0 =	vld [tilespmem:s18+$0x0]  }
0x31: {  	v1 =	vld [tilespmem:s18+$0xFFFFFFE0];
	s16 =	sor.u32 $0x4000, s14  }
0x32: {  	s31 =	sshrl.u32 s15, $0x2;
	s15 =	sadd.s32 $0x0, s16  }
0x33: {  	s17 =	simm.s32 $0x4;
	s18 =	sadd.s32 $0x40, s18;
	s14 =	sor.u32 $0x4000, s31;
	[tilespmem:s15+$0x1830 ss:$0x81] =	vst.msk $0xffff, v3  }
.LBB1_3:
0x34: {  	v3 =	vld [tilespmem:s18+$0x10];
	p1 =	sne.s32 s17, $0x1FC;
	[tilespmem:s15+$0x810 ss:$0x81] =	vst.msk $0xffff, v2;
	s19 =	smov.u32 s17;
	s17 =	sadd.s32 $0x4, s17  }
.Ltmp3:
0x35: {  	v2 =	vld [tilespmem:s18+$0xFFFFFFF0];
	[tilespmem:s15+$0x1020 ss:$0x81] =	vst.msk $0xffff, v0;
	(pc) =	sbr.rel @p1 .LBB1_3-.Ltmp3, $4  }
0x36: {  	v0 =	vld [tilespmem:s18+$0x0];
	[tilespmem:s15+$0x0 ss:$0x81] =	vst.msk $0xffff, v1  }
0x37: {  	s15 =	sshra.s32 s19, $0x2;
	v1 =	vld [tilespmem:s18+$0xFFFFFFE0]  }
0x38: {  	s15 =	sadd.s32 s15, s16  }
0x39: {  	s18 =	sadd.s32 $0x40, s18;
	[tilespmem:s15+$0x1830 ss:$0x81] =	vst.msk $0xffff, v3  }
.Ltmp4:
0x3a: {  	_ = 	snop;
	(pc) =	sbr.rel .LBB1_4-.Ltmp4, $1  }
0x3b: {  	_ =	sdelay $0x3  }
.LBB1_6:
0x3c: {  	_ =	sfence.sel $0x180000  }
0x3d: {  	s2 =	simm.s32 $0x1;
	[bflag:$0x0] =	sbarrier.arrive $0xFFFF  }
0x3e: {  	s31 =	simm.s32 $0x2;
	[sflag:s2] =	ssyncpa.u1 $0x1  }
0x3f: {  	[sflag:s31] =	ssyncpa.u1 $0x1  }
0x40: {  	p0 =	sne.s32 s0, $0x0;
	_ =	strace $0x9000004A  }
0x41: {  	s0 =	sadd.s32 @!p0 $0x100000, s1;
	[bflag:$0x2] =	sbarrier.arrive $0xFFFF  }
0x42: {  	[sflag:s0] =	ssyncadd.tile.s32 @!p0 $0x1;
	_ =	shalt  }
.Lfunc_end1:
_tile_overlayer_lowered:
.L_overlay_start_2:
0x43: {  	(tag) =	ssettag $0x2  }
0x44: {  	s0 =	rddreg [dreg:$0x0];
	s2 =	stileid.u32  }
0x45: {  	s1 =	rddreg [dreg:$0x1];
	p0 =	sne.s32 s2, $0x0  }
0x46: {  	s3 =	rddreg [dreg:$0x2];
	[bflag:$0x3] =	sbarrier.arrive $0xFFFF;
	s2 =	simm.s32 @!p0 $0x1C01  }
0x47: {  	[timem:s3], [sflag:s2] =	dma.local @!p0 [hbm:s0], s1  }
0x48: {  	s0 =	simm.s32 @!p0 $0x1  }
0x49: {  	_ =	swait.ge @!p0 [sflag:s0], s1  }
0x4a: {  	s1 =	ssub.s32 @!p0 $0x0, s1;
	[sflag:s0] =	ssyncset.done @!p0 $0x0  }
0x4b: {  	[sflag:s0] =	ssyncadd.s32 @!p0 s1  }
0x4c: {  	[bflag:$0x3] =	sbarrier.arrive $0xFFFF  }
0x4d: {  	_ =	shalt  }

</sc_bundles>
